<compile_context>
chip_gen: v7x
topology: tpu7x:2x2x1
jax: 0.10.2.dev20260603
libtpu: 0.0.44.dev20260713+nightly
codegen_flags: <defaults>
</compile_context>

<pallas_src>
import functools

import jax
import jax.numpy as jnp
from jax import lax
from jax.experimental import pallas as pl
from jax.experimental.pallas import tpu as pltpu
from jax.experimental.pallas import tpu_sc as plsc

N = 8
NF = 200
NFP = 208
NJ = 10
L = 16
NCHUNK = NFP // L
PAD_ROWS = 64

_GDN = lax.GatherDimensionNumbers(
    offset_dims=(), collapsed_slice_dims=(0,), start_index_map=(0,))


def _lane_bcast(vec, idx16):
    return lax.gather(vec, idx16[:, None], _GDN, (1,),
                      mode=lax.GatherScatterMode.PROMISE_IN_BOUNDS)


def _splat(vec, j):
    return _lane_bcast(vec, jnp.full((16,), j, jnp.int32))


def _sc_body(x_hbm, wt_hbm, b_hbm, outv_hbm, outi_hbm, outa_hbm,
             x_v, wt_v, b_v, stage_v, all_v, vout_v, iout_v, aout_v,
             sem1, sem2, sem3, ashared):
    c = lax.axis_index("c")
    s = lax.axis_index("s")
    lane = lax.iota(jnp.int32, 16)
    r = jnp.where(s < N, s, 0)
    active = (c == 0) & (s < N)

    @pl.when(active)
    def _():
        cp1 = pltpu.async_copy(wt_hbm, wt_v, sem1)
        cp2 = pltpu.async_copy(x_hbm.at[r], x_v, sem2)
        cp3 = pltpu.async_copy(b_hbm, b_v, sem3)
        cp1.wait()
        cp2.wait()
        cp3.wait()

        xc = [x_v[pl.ds(L * cc, L)] for cc in range(NCHUNK)]
        z = b_v[...]
        for j in range(NJ):
            acc = xc[0] * wt_v[j, pl.ds(0, L)]
            for cc in range(1, NCHUNK):
                acc = acc + xc[cc] * wt_v[j, pl.ds(L * cc, L)]
            z = jnp.where(lane == j, z + jnp.sum(acc), z)

        sig = 1.0 / (1.0 + jnp.exp(-z))
        atrr = jnp.where(lane < NJ, sig, 0.0)
        stage_v[...] = atrr
        pltpu.sync_copy(stage_v, ashared.at[PAD_ROWS + s])

    plsc.subcore_barrier()

    @pl.when(active)
    def _():
        pltpu.sync_copy(ashared.at[pl.ds(PAD_ROWS, 16)], all_v)

        cols = [plsc.load_gather(all_v, [lane, jnp.full((16,), f, jnp.int32)])
                for f in range(NJ)]

        svec = jnp.zeros((16,), jnp.float32)
        for col in cols:
            svec = svec + col * col

        ibits = plsc.bitcast(svec, jnp.int32)
        g = plsc.bitcast(
            jnp.full((16,), 0x5F3759DF, jnp.int32)
            - lax.shift_right_logical(ibits, jnp.ones((16,), jnp.int32)),
            jnp.float32)
        half = 0.5 * svec
        for _ in range(3):
            g = g * (1.5 - half * g * g)
        t = jnp.maximum(svec * g, 1e-8)
        tinv = 1.0 / t

        neginf = jnp.float32(-jnp.inf)
        evec = jnp.zeros((16,), jnp.float32)
        for j in range(N):
            dj = _splat(cols[0], j) * cols[0]
            for col in cols[1:]:
                dj = dj + _splat(col, j) * col
            ej = jnp.max(jnp.where(lane < N, dj * tinv, neginf))
            evec = jnp.where(lane == j, lax.broadcast(ej, (16,)), evec)

        arow = jnp.zeros((16,), jnp.float32)
        for col in cols:
            arow = arow + _lane_bcast(col, jnp.full((16,), r, jnp.int32)) * col

        tr = _lane_bcast(t, jnp.full((16,), r, jnp.int32))
        anorm = jnp.where(lane < N, arow / (tr * evec), neginf)

        sk, sv = plsc.sort_key_val(anorm, lane, descending=True)
        vout_v[...] = sk
        iout_v[...] = sv
        aout_v[...] = anorm

        pltpu.sync_copy(vout_v, outv_hbm.at[s])
        pltpu.sync_copy(iout_v, outi_hbm.at[s])
        pltpu.sync_copy(aout_v, outa_hbm.at[s])


_sc_call = functools.partial(
    pl.kernel,
    out_type=(
        jax.ShapeDtypeStruct((N, 16), jnp.float32),
        jax.ShapeDtypeStruct((N, 16), jnp.int32),
        jax.ShapeDtypeStruct((N, 16), jnp.float32),
    ),
    mesh=plsc.VectorSubcoreMesh(core_axis_name="c", subcore_axis_name="s",
                                num_cores=1),
    compiler_params=pltpu.CompilerParams(needs_layout_passes=False),
    scratch_types=[
        pltpu.VMEM((NFP,), jnp.float32),
        pltpu.VMEM((NJ, NFP), jnp.float32),
        pltpu.VMEM((16,), jnp.float32),
        pltpu.VMEM((16,), jnp.float32),
        pltpu.VMEM((16, 16), jnp.float32),
        pltpu.VMEM((16,), jnp.float32),
        pltpu.VMEM((16,), jnp.int32),
        pltpu.VMEM((16,), jnp.float32),
        pltpu.SemaphoreType.DMA,
        pltpu.SemaphoreType.DMA,
        pltpu.SemaphoreType.DMA,
        pltpu.VMEM_SHARED((PAD_ROWS + 16, 16), jnp.float32),
    ],
)(_sc_body)


def kernel(x, W, b):
    x = x.reshape(x.shape[0], -1).astype(jnp.float32)
    xp = jnp.pad(x, ((0, 0), (0, NFP - NF)))
    wt = jnp.pad(W.astype(jnp.float32).T, ((0, 0), (0, NFP - NF)))
    bp = jnp.pad(b.astype(jnp.float32), (0, 16 - NJ))
    vals16, idx16, an16 = _sc_call(xp, wt, bp)
    vals = vals16[:, :N]
    idx = idx16[:, :N]
    an = an16[:, :N]
    row = jnp.repeat(jnp.arange(N, dtype=idx.dtype), N)
    edge_index = jnp.stack([row, idx.reshape(-1)])
    return (vals.reshape(-1), edge_index, an)

# --- scband reference (transcript-rebuilt; emitter-appended) ---
"""Pipeline reference for scband-ggl-57836029608468 (READ-ONLY COPY).

The authoritative reference and input builder live on the scoring server;
editing this copy changes nothing except your own understanding.
"""

import jax, jax.numpy as jnp
import numpy as np


def setup_inputs(seed: int = 0) -> dict:
    key = jax.random.key(seed)
    k1, k2 = jax.random.split(key, 2)
    x = jax.random.normal(k1, (8, 200), dtype=jnp.float32)
    # Linear(200, 10) parameters
    W = jax.random.normal(k2, (200, 10), dtype=jnp.float32) * (1.0 / np.sqrt(200.0))
    b = jnp.zeros((10,), dtype=jnp.float32)
    return {"x": x, "W": W, "b": b}


def reference(x, W, b):
    # x = x.view(x.size(0), -1)
    x2 = x.reshape(x.shape[0], -1)
    # atrr = Sigmoid(Linear(200,10)(x))
    atrr = jax.nn.sigmoid(x2 @ W + b)
    # pairwise cosine similarity -> 8x8 adjacency (torch eps=1e-8)
    norms = jnp.maximum(jnp.linalg.norm(atrr, axis=1), 1e-8)
    A = (atrr @ atrr.T) / (norms[:, None] * norms[None, :])
    # maxval over dim=1; note torch broadcasting A / maxval divides column j by maxval[j]
    maxval = jnp.max(A, axis=1)
    A_norm = A / maxval
    k = A.shape[0]
    values, indices = jax.lax.top_k(A_norm, k)
    row = jnp.repeat(jnp.arange(k, dtype=indices.dtype), k)
    edge_index = jnp.stack([row, indices.reshape(-1)])
    return (values.reshape(-1), edge_index, A_norm)

if __name__ == "__main__":
    import jax
    _d = setup_inputs()
    print(jax.jit(kernel)(*tuple(_d.values())))

</pallas_src>

<mosaic_0001>
#map = affine_map<(d0, d1) -> (0, 0)>
#map1 = affine_map<(d0, d1) -> (0)>
module attributes {stable_mosaic.version = 14 : i64} {
  func.func @_sc_body(%arg0: i32, %arg1: i32, %arg2: memref<8x208xf32, #tpu.memory_space<hbm>>, %arg3: memref<10x208xf32, #tpu.memory_space<hbm>>, %arg4: memref<16xf32, #tpu.memory_space<hbm>>, %arg5: memref<8x16xf32, #tpu.memory_space<hbm>>, %arg6: memref<8x16xi32, #tpu.memory_space<hbm>>, %arg7: memref<8x16xf32, #tpu.memory_space<hbm>>, %arg8: memref<208xf32, #tpu.memory_space<vmem>>, %arg9: memref<10x208xf32, #tpu.memory_space<vmem>>, %arg10: memref<16xf32, #tpu.memory_space<vmem>>, %arg11: memref<16xf32, #tpu.memory_space<vmem>>, %arg12: memref<16x16xf32, #tpu.memory_space<vmem>>, %arg13: memref<16xf32, #tpu.memory_space<vmem>>, %arg14: memref<16xi32, #tpu.memory_space<vmem>>, %arg15: memref<16xf32, #tpu.memory_space<vmem>>, %arg16: memref<!tpu.dma_semaphore, #tpu.memory_space<semaphore_mem>>, %arg17: memref<!tpu.dma_semaphore, #tpu.memory_space<semaphore_mem>>, %arg18: memref<!tpu.dma_semaphore, #tpu.memory_space<semaphore_mem>>, %arg19: memref<80x16xf32, #tpu.memory_space<vmem_shared>>) attributes {dimension_semantics = [#tpu.dimension_semantics<core_parallel>, #tpu.dimension_semantics<subcore_parallel>], iteration_bounds = array<i64: 1, 16>, scalar_prefetch = 0 : i64, scratch_operands = 12 : i64, tpu.core_type = #tpu.core_type<sc_vector_subcore>, window_params = [{transform_indices = #map}, {transform_indices = #map}, {transform_indices = #map1}, {transform_indices = #map}, {transform_indices = #map}, {transform_indices = #map}]} {
    %iota3A = tpu.iota {dimensions = array<i32: 0>} : vector<16xi32>
    %lt3A = arith.constant 8 : i32
    %lt3A_0 = arith.cmpi slt, %arg1, %lt3A : i32
    %jit3A = arith.constant 0 : i32
    %select_n3A = arith.select %lt3A_0, %arg1, %jit3A : i32
    %eq3A = arith.constant 0 : i32
    %eq3A_1 = arith.cmpi eq, %arg0, %eq3A : i32
    %lt3A_2 = arith.constant 8 : i32
    %lt3A_3 = arith.cmpi slt, %arg1, %lt3A_2 : i32
    %and3A = arith.andi %eq3A_1, %lt3A_3 : i1
    %convert_element_type3A = arith.extui %and3A : i1 to i32
    %cond3A = arith.constant 0 : i32
    %cond3A_4 = arith.cmpi ne, %convert_element_type3A, %cond3A : i32
    scf.if %cond3A_4 {
      tpu.enqueue_dma source(%arg3 : memref<10x208xf32, #tpu.memory_space<hbm>>) target(%arg9 : memref<10x208xf32, #tpu.memory_space<vmem>>) target_semaphore(%arg16 : memref<!tpu.dma_semaphore, #tpu.memory_space<semaphore_mem>>)
      %dma_start3A = arith.constant 0 : i32
      %dma_start3A_8 = tpu.memref_slice %arg2[%select_n3A, %dma_start3A] : memref<8x208xf32, #tpu.memory_space<hbm>> -> memref<1x208xf32, #tpu.memory_space<hbm>>
      %dma_start3A_9 = tpu.memref_squeeze %dma_start3A_8 : memref<1x208xf32, #tpu.memory_space<hbm>> -> memref<208xf32, #tpu.memory_space<hbm>>
      %dma_start3A_10 = arith.constant 0 : i32
      %dma_start3A_11 = tpu.memref_slice %arg2[%select_n3A, %dma_start3A_10] : memref<8x208xf32, #tpu.memory_space<hbm>> -> memref<1x208xf32, #tpu.memory_space<hbm>>
      %dma_start3A_12 = tpu.memref_squeeze %dma_start3A_11 : memref<1x208xf32, #tpu.memory_space<hbm>> -> memref<208xf32, #tpu.memory_space<hbm>>
      tpu.enqueue_dma source(%dma_start3A_12 : memref<208xf32, #tpu.memory_space<hbm>>) target(%arg8 : memref<208xf32, #tpu.memory_space<vmem>>) target_semaphore(%arg17 : memref<!tpu.dma_semaphore, #tpu.memory_space<semaphore_mem>>)
      tpu.enqueue_dma source(%arg4 : memref<16xf32, #tpu.memory_space<hbm>>) target(%arg10 : memref<16xf32, #tpu.memory_space<vmem>>) target_semaphore(%arg18 : memref<!tpu.dma_semaphore, #tpu.memory_space<semaphore_mem>>)
      tpu.wait_dma2 semaphore(%arg16 : memref<!tpu.dma_semaphore, #tpu.memory_space<semaphore_mem>>) src(%arg3 : memref<10x208xf32, #tpu.memory_space<hbm>>) dst(%arg9 : memref<10x208xf32, #tpu.memory_space<vmem>>)
      %dma_wait3A = arith.constant 0 : i32
      %dma_wait3A_13 = tpu.memref_slice %arg2[%select_n3A, %dma_wait3A] : memref<8x208xf32, #tpu.memory_space<hbm>> -> memref<1x208xf32, #tpu.memory_space<hbm>>
      %dma_wait3A_14 = tpu.memref_squeeze %dma_wait3A_13 : memref<1x208xf32, #tpu.memory_space<hbm>> -> memref<208xf32, #tpu.memory_space<hbm>>
      %dma_wait3A_15 = arith.constant 0 : i32
      %dma_wait3A_16 = tpu.memref_slice %arg2[%select_n3A, %dma_wait3A_15] : memref<8x208xf32, #tpu.memory_space<hbm>> -> memref<1x208xf32, #tpu.memory_space<hbm>>
      %dma_wait3A_17 = tpu.memref_squeeze %dma_wait3A_16 : memref<1x208xf32, #tpu.memory_space<hbm>> -> memref<208xf32, #tpu.memory_space<hbm>>
      tpu.wait_dma2 semaphore(%arg17 : memref<!tpu.dma_semaphore, #tpu.memory_space<semaphore_mem>>) src(%dma_wait3A_17 : memref<208xf32, #tpu.memory_space<hbm>>) dst(%arg8 : memref<208xf32, #tpu.memory_space<vmem>>)
      tpu.wait_dma2 semaphore(%arg18 : memref<!tpu.dma_semaphore, #tpu.memory_space<semaphore_mem>>) src(%arg4 : memref<16xf32, #tpu.memory_space<hbm>>) dst(%arg10 : memref<16xf32, #tpu.memory_space<vmem>>)
      %get3A = arith.constant 0 : index
      %get3A_18 = tpu.vector_load %arg8[%get3A] {strides = array<i32>} : memref<208xf32, #tpu.memory_space<vmem>>, vector<16xf32>,
      %get3A_19 = arith.constant 16 : index
      %get3A_20 = tpu.vector_load %arg8[%get3A_19] {strides = array<i32>} : memref<208xf32, #tpu.memory_space<vmem>>, vector<16xf32>,
      %get3A_21 = arith.constant 32 : index
      %get3A_22 = tpu.vector_load %arg8[%get3A_21] {strides = array<i32>} : memref<208xf32, #tpu.memory_space<vmem>>, vector<16xf32>,
      %get3A_23 = arith.constant 48 : index
      %get3A_24 = tpu.vector_load %arg8[%get3A_23] {strides = array<i32>} : memref<208xf32, #tpu.memory_space<vmem>>, vector<16xf32>,
      %get3A_25 = arith.constant 64 : index
      %get3A_26 = tpu.vector_load %arg8[%get3A_25] {strides = array<i32>} : memref<208xf32, #tpu.memory_space<vmem>>, vector<16xf32>,
      %get3A_27 = arith.constant 80 : index
      %get3A_28 = tpu.vector_load %arg8[%get3A_27] {strides = array<i32>} : memref<208xf32, #tpu.memory_space<vmem>>, vector<16xf32>,
      %get3A_29 = arith.constant 96 : index
      %get3A_30 = tpu.vector_load %arg8[%get3A_29] {strides = array<i32>} : memref<208xf32, #tpu.memory_space<vmem>>, vector<16xf32>,
      %get3A_31 = arith.constant 112 : index
      %get3A_32 = tpu.vector_load %arg8[%get3A_31] {strides = array<i32>} : memref<208xf32, #tpu.memory_space<vmem>>, vector<16xf32>,
      %get3A_33 = arith.constant 128 : index
      %get3A_34 = tpu.vector_load %arg8[%get3A_33] {strides = array<i32>} : memref<208xf32, #tpu.memory_space<vmem>>, vector<16xf32>,
      %get3A_35 = arith.constant 144 : index
      %get3A_36 = tpu.vector_load %arg8[%get3A_35] {strides = array<i32>} : memref<208xf32, #tpu.memory_space<vmem>>, vector<16xf32>,
      %get3A_37 = arith.constant 160 : index
      %get3A_38 = tpu.vector_load %arg8[%get3A_37] {strides = array<i32>} : memref<208xf32, #tpu.memory_space<vmem>>, vector<16xf32>,
      %get3A_39 = arith.constant 176 : index
      %get3A_40 = tpu.vector_load %arg8[%get3A_39] {strides = array<i32>} : memref<208xf32, #tpu.memory_space<vmem>>, vector<16xf32>,
      %get3A_41 = arith.constant 192 : index
      %get3A_42 = tpu.vector_load %arg8[%get3A_41] {strides = array<i32>} : memref<208xf32, #tpu.memory_space<vmem>>, vector<16xf32>,
      %get3A_43 = arith.constant 0 : index
      %get3A_44 = tpu.vector_load %arg10[%get3A_43] {strides = array<i32>} : memref<16xf32, #tpu.memory_space<vmem>>, vector<16xf32>,
      %get3A_45 = arith.constant 0 : i32
      %get3A_46 = arith.index_cast %get3A_45 : i32 to index
      %get3A_47 = arith.constant 0 : index
      %get3A_48 = tpu.vector_load %arg9[%get3A_46, %get3A_47] {strides = array<i32>} : memref<10x208xf32, #tpu.memory_space<vmem>>, vector<16xf32>,
      %mul3A = arith.mulf %get3A_18, %get3A_48 : vector<16xf32>
      %get3A_49 = arith.constant 0 : i32
      %get3A_50 = arith.index_cast %get3A_49 : i32 to index
      %get3A_51 = arith.constant 16 : index
      %get3A_52 = tpu.vector_load %arg9[%get3A_50, %get3A_51] {strides = array<i32>} : memref<10x208xf32, #tpu.memory_space<vmem>>, vector<16xf32>,
      %mul3A_53 = arith.mulf %get3A_20, %get3A_52 : vector<16xf32>
      %add3A = arith.addf %mul3A, %mul3A_53 : vector<16xf32>
      %get3A_54 = arith.constant 0 : i32
      %get3A_55 = arith.index_cast %get3A_54 : i32 to index
      %get3A_56 = arith.constant 32 : index
      %get3A_57 = tpu.vector_load %arg9[%get3A_55, %get3A_56] {strides = array<i32>} : memref<10x208xf32, #tpu.memory_space<vmem>>, vector<16xf32>,
      %mul3A_58 = arith.mulf %get3A_22, %get3A_57 : vector<16xf32>
      %add3A_59 = arith.addf %add3A, %mul3A_58 : vector<16xf32>
      %get3A_60 = arith.constant 0 : i32
      %get3A_61 = arith.index_cast %get3A_60 : i32 to index
      %get3A_62 = arith.constant 48 : index
      %get3A_63 = tpu.vector_load %arg9[%get3A_61, %get3A_62] {strides = array<i32>} : memref<10x208xf32, #tpu.memory_space<vmem>>, vector<16xf32>,
      %mul3A_64 = arith.mulf %get3A_24, %get3A_63 : vector<16xf32>
      %add3A_65 = arith.addf %add3A_59, %mul3A_64 : vector<16xf32>
      %get3A_66 = arith.constant 0 : i32
      %get3A_67 = arith.index_cast %get3A_66 : i32 to index
      %get3A_68 = arith.constant 64 : index
      %get3A_69 = tpu.vector_load %arg9[%get3A_67, %get3A_68] {strides = array<i32>} : memref<10x208xf32, #tpu.memory_space<vmem>>, vector<16xf32>,
      %mul3A_70 = arith.mulf %get3A_26, %get3A_69 : vector<16xf32>
      %add3A_71 = arith.addf %add3A_65, %mul3A_70 : vector<16xf32>
      %get3A_72 = arith.constant 0 : i32
      %get3A_73 = arith.index_cast %get3A_72 : i32 to index
      %get3A_74 = arith.constant 80 : index
      %get3A_75 = tpu.vector_load %arg9[%get3A_73, %get3A_74] {strides = array<i32>} : memref<10x208xf32, #tpu.memory_space<vmem>>, vector<16xf32>,
      %mul3A_76 = arith.mulf %get3A_28, %get3A_75 : vector<16xf32>
      %add3A_77 = arith.addf %add3A_71, %mul3A_76 : vector<16xf32>
      %get3A_78 = arith.constant 0 : i32
      %get3A_79 = arith.index_cast %get3A_78 : i32 to index
      %get3A_80 = arith.constant 96 : index
      %get3A_81 = tpu.vector_load %arg9[%get3A_79, %get3A_80] {strides = array<i32>} : memref<10x208xf32, #tpu.memory_space<vmem>>, vector<16xf32>,
      %mul3A_82 = arith.mulf %get3A_30, %get3A_81 : vector<16xf32>
      %add3A_83 = arith.addf %add3A_77, %mul3A_82 : vector<16xf32>
      %get3A_84 = arith.constant 0 : i32
      %get3A_85 = arith.index_cast %get3A_84 : i32 to index
      %get3A_86 = arith.constant 112 : index
      %get3A_87 = tpu.vector_load %arg9[%get3A_85, %get3A_86] {strides = array<i32>} : memref<10x208xf32, #tpu.memory_space<vmem>>, vector<16xf32>,
      %mul3A_88 = arith.mulf %get3A_32, %get3A_87 : vector<16xf32>
      %add3A_89 = arith.addf %add3A_83, %mul3A_88 : vector<16xf32>
      %get3A_90 = arith.constant 0 : i32
      %get3A_91 = arith.index_cast %get3A_90 : i32 to index
      %get3A_92 = arith.constant 128 : index
      %get3A_93 = tpu.vector_load %arg9[%get3A_91, %get3A_92] {strides = array<i32>} : memref<10x208xf32, #tpu.memory_space<vmem>>, vector<16xf32>,
      %mul3A_94 = arith.mulf %get3A_34, %get3A_93 : vector<16xf32>
      %add3A_95 = arith.addf %add3A_89, %mul3A_94 : vector<16xf32>
      %get3A_96 = arith.constant 0 : i32
      %get3A_97 = arith.index_cast %get3A_96 : i32 to index
      %get3A_98 = arith.constant 144 : index
      %get3A_99 = tpu.vector_load %arg9[%get3A_97, %get3A_98] {strides = array<i32>} : memref<10x208xf32, #tpu.memory_space<vmem>>, vector<16xf32>,
      %mul3A_100 = arith.mulf %get3A_36, %get3A_99 : vector<16xf32>
      %add3A_101 = arith.addf %add3A_95, %mul3A_100 : vector<16xf32>
      %get3A_102 = arith.constant 0 : i32
      %get3A_103 = arith.index_cast %get3A_102 : i32 to index
      %get3A_104 = arith.constant 160 : index
      %get3A_105 = tpu.vector_load %arg9[%get3A_103, %get3A_104] {strides = array<i32>} : memref<10x208xf32, #tpu.memory_space<vmem>>, vector<16xf32>,
      %mul3A_106 = arith.mulf %get3A_38, %get3A_105 : vector<16xf32>
      %add3A_107 = arith.addf %add3A_101, %mul3A_106 : vector<16xf32>
      %get3A_108 = arith.constant 0 : i32
      %get3A_109 = arith.index_cast %get3A_108 : i32 to index
      %get3A_110 = arith.constant 176 : index
      %get3A_111 = tpu.vector_load %arg9[%get3A_109, %get3A_110] {strides = array<i32>} : memref<10x208xf32, #tpu.memory_space<vmem>>, vector<16xf32>,
      %mul3A_112 = arith.mulf %get3A_40, %get3A_111 : vector<16xf32>
      %add3A_113 = arith.addf %add3A_107, %mul3A_112 : vector<16xf32>
      %get3A_114 = arith.constant 0 : i32
      %get3A_115 = arith.index_cast %get3A_114 : i32 to index
      %get3A_116 = arith.constant 192 : index
      %get3A_117 = tpu.vector_load %arg9[%get3A_115, %get3A_116] {strides = array<i32>} : memref<10x208xf32, #tpu.memory_space<vmem>>, vector<16xf32>,
      %mul3A_118 = arith.mulf %get3A_42, %get3A_117 : vector<16xf32>
      %add3A_119 = arith.addf %add3A_113, %mul3A_118 : vector<16xf32>
      %eq3A_120 = arith.constant 0 : i32
      %eq3A_121 = vector.broadcast %eq3A_120 : i32 to vector<16xi32>
      %eq3A_122 = arith.cmpi eq, %iota3A, %eq3A_121 : vector<16xi32>
      %reduce_sum3A = arith.constant true
      %reduce_sum3A_123 = vector.broadcast %reduce_sum3A : i1 to vector<16xi1>
      %reduce_sum3A_124 = tpu.scan <sum>, %add3A_119 masked %reduce_sum3A_123 : vector<16xf32>, vector<16xi1> -> vector<16xf32>
      %reduce_sum3A_125 = vector.extract %reduce_sum3A_124[15] : f32 from vector<16xf32>
      %add3A_126 = vector.broadcast %reduce_sum3A_125 : f32 to vector<16xf32>
      %add3A_127 = arith.addf %get3A_44, %add3A_126 : vector<16xf32>
      %select_n3A_128 = arith.select %eq3A_122, %add3A_127, %get3A_44 : vector<16xi1>, vector<16xf32>
      %get3A_129 = arith.constant 1 : i32
      %get3A_130 = arith.index_cast %get3A_129 : i32 to index
      %get3A_131 = arith.constant 0 : index
      %get3A_132 = tpu.vector_load %arg9[%get3A_130, %get3A_131] {strides = array<i32>} : memref<10x208xf32, #tpu.memory_space<vmem>>, vector<16xf32>,
      %mul3A_133 = arith.mulf %get3A_18, %get3A_132 : vector<16xf32>
      %get3A_134 = arith.constant 1 : i32
      %get3A_135 = arith.index_cast %get3A_134 : i32 to index
      %get3A_136 = arith.constant 16 : index
      %get3A_137 = tpu.vector_load %arg9[%get3A_135, %get3A_136] {strides = array<i32>} : memref<10x208xf32, #tpu.memory_space<vmem>>, vector<16xf32>,
      %mul3A_138 = arith.mulf %get3A_20, %get3A_137 : vector<16xf32>
      %add3A_139 = arith.addf %mul3A_133, %mul3A_138 : vector<16xf32>
      %get3A_140 = arith.constant 1 : i32
      %get3A_141 = arith.index_cast %get3A_140 : i32 to index
      %get3A_142 = arith.constant 32 : index
      %get3A_143 = tpu.vector_load %arg9[%get3A_141, %get3A_142] {strides = array<i32>} : memref<10x208xf32, #tpu.memory_space<vmem>>, vector<16xf32>,
      %mul3A_144 = arith.mulf %get3A_22, %get3A_143 : vector<16xf32>
      %add3A_145 = arith.addf %add3A_139, %mul3A_144 : vector<16xf32>
      %get3A_146 = arith.constant 1 : i32
      %get3A_147 = arith.index_cast %get3A_146 : i32 to index
      %get3A_148 = arith.constant 48 : index
      %get3A_149 = tpu.vector_load %arg9[%get3A_147, %get3A_148] {strides = array<i32>} : memref<10x208xf32, #tpu.memory_space<vmem>>, vector<16xf32>,
      %mul3A_150 = arith.mulf %get3A_24, %get3A_149 : vector<16xf32>
      %add3A_151 = arith.addf %add3A_145, %mul3A_150 : vector<16xf32>
      %get3A_152 = arith.constant 1 : i32
      %get3A_153 = arith.index_cast %get3A_152 : i32 to index
      %get3A_154 = arith.constant 64 : index
      %get3A_155 = tpu.vector_load %arg9[%get3A_153, %get3A_154] {strides = array<i32>} : memref<10x208xf32, #tpu.memory_space<vmem>>, vector<16xf32>,
      %mul3A_156 = arith.mulf %get3A_26, %get3A_155 : vector<16xf32>
      %add3A_157 = arith.addf %add3A_151, %mul3A_156 : vector<16xf32>
      %get3A_158 = arith.constant 1 : i32
      %get3A_159 = arith.index_cast %get3A_158 : i32 to index
      %get3A_160 = arith.constant 80 : index
      %get3A_161 = tpu.vector_load %arg9[%get3A_159, %get3A_160] {strides = array<i32>} : memref<10x208xf32, #tpu.memory_space<vmem>>, vector<16xf32>,
      %mul3A_162 = arith.mulf %get3A_28, %get3A_161 : vector<16xf32>
      %add3A_163 = arith.addf %add3A_157, %mul3A_162 : vector<16xf32>
      %get3A_164 = arith.constant 1 : i32
      %get3A_165 = arith.index_cast %get3A_164 : i32 to index
      %get3A_166 = arith.constant 96 : index
      %get3A_167 = tpu.vector_load %arg9[%get3A_165, %get3A_166] {strides = array<i32>} : memref<10x208xf32, #tpu.memory_space<vmem>>, vector<16xf32>,
      %mul3A_168 = arith.mulf %get3A_30, %get3A_167 : vector<16xf32>
      %add3A_169 = arith.addf %add3A_163, %mul3A_168 : vector<16xf32>
      %get3A_170 = arith.constant 1 : i32
      %get3A_171 = arith.index_cast %get3A_170 : i32 to index
      %get3A_172 = arith.constant 112 : index
      %get3A_173 = tpu.vector_load %arg9[%get3A_171, %get3A_172] {strides = array<i32>} : memref<10x208xf32, #tpu.memory_space<vmem>>, vector<16xf32>,
      %mul3A_174 = arith.mulf %get3A_32, %get3A_173 : vector<16xf32>
      %add3A_175 = arith.addf %add3A_169, %mul3A_174 : vector<16xf32>
      %get3A_176 = arith.constant 1 : i32
      %get3A_177 = arith.index_cast %get3A_176 : i32 to index
      %get3A_178 = arith.constant 128 : index
      %get3A_179 = tpu.vector_load %arg9[%get3A_177, %get3A_178] {strides = array<i32>} : memref<10x208xf32, #tpu.memory_space<vmem>>, vector<16xf32>,
      %mul3A_180 = arith.mulf %get3A_34, %get3A_179 : vector<16xf32>
      %add3A_181 = arith.addf %add3A_175, %mul3A_180 : vector<16xf32>
      %get3A_182 = arith.constant 1 : i32
      %get3A_183 = arith.index_cast %get3A_182 : i32 to index
      %get3A_184 = arith.constant 144 : index
      %get3A_185 = tpu.vector_load %arg9[%get3A_183, %get3A_184] {strides = array<i32>} : memref<10x208xf32, #tpu.memory_space<vmem>>, vector<16xf32>,
      %mul3A_186 = arith.mulf %get3A_36, %get3A_185 : vector<16xf32>
      %add3A_187 = arith.addf %add3A_181, %mul3A_186 : vector<16xf32>
      %get3A_188 = arith.constant 1 : i32
      %get3A_189 = arith.index_cast %get3A_188 : i32 to index
      %get3A_190 = arith.constant 160 : index
      %get3A_191 = tpu.vector_load %arg9[%get3A_189, %get3A_190] {strides = array<i32>} : memref<10x208xf32, #tpu.memory_space<vmem>>, vector<16xf32>,
      %mul3A_192 = arith.mulf %get3A_38, %get3A_191 : vector<16xf32>
      %add3A_193 = arith.addf %add3A_187, %mul3A_192 : vector<16xf32>
      %get3A_194 = arith.constant 1 : i32
      %get3A_195 = arith.index_cast %get3A_194 : i32 to index
      %get3A_196 = arith.constant 176 : index
      %get3A_197 = tpu.vector_load %arg9[%get3A_195, %get3A_196] {strides = array<i32>} : memref<10x208xf32, #tpu.memory_space<vmem>>, vector<16xf32>,
      %mul3A_198 = arith.mulf %get3A_40, %get3A_197 : vector<16xf32>
      %add3A_199 = arith.addf %add3A_193, %mul3A_198 : vector<16xf32>
      %get3A_200 = arith.constant 1 : i32
      %get3A_201 = arith.index_cast %get3A_200 : i32 to index
      %get3A_202 = arith.constant 192 : index
      %get3A_203 = tpu.vector_load %arg9[%get3A_201, %get3A_202] {strides = array<i32>} : memref<10x208xf32, #tpu.memory_space<vmem>>, vector<16xf32>,
      %mul3A_204 = arith.mulf %get3A_42, %get3A_203 : vector<16xf32>
      %add3A_205 = arith.addf %add3A_199, %mul3A_204 : vector<16xf32>
      %eq3A_206 = arith.constant 1 : i32
      %eq3A_207 = vector.broadcast %eq3A_206 : i32 to vector<16xi32>
      %eq3A_208 = arith.cmpi eq, %iota3A, %eq3A_207 : vector<16xi32>
      %reduce_sum3A_209 = arith.constant true
      %reduce_sum3A_210 = vector.broadcast %reduce_sum3A_209 : i1 to vector<16xi1>
      %reduce_sum3A_211 = tpu.scan <sum>, %add3A_205 masked %reduce_sum3A_210 : vector<16xf32>, vector<16xi1> -> vector<16xf32>
      %reduce_sum3A_212 = vector.extract %reduce_sum3A_211[15] : f32 from vector<16xf32>
      %add3A_213 = vector.broadcast %reduce_sum3A_212 : f32 to vector<16xf32>
      %add3A_214 = arith.addf %select_n3A_128, %add3A_213 : vector<16xf32>
      %select_n3A_215 = arith.select %eq3A_208, %add3A_214, %select_n3A_128 : vector<16xi1>, vector<16xf32>
      %get3A_216 = arith.constant 2 : i32
      %get3A_217 = arith.index_cast %get3A_216 : i32 to index
      %get3A_218 = arith.constant 0 : index
      %get3A_219 = tpu.vector_load %arg9[%get3A_217, %get3A_218] {strides = array<i32>} : memref<10x208xf32, #tpu.memory_space<vmem>>, vector<16xf32>,
      %mul3A_220 = arith.mulf %get3A_18, %get3A_219 : vector<16xf32>
      %get3A_221 = arith.constant 2 : i32
      %get3A_222 = arith.index_cast %get3A_221 : i32 to index
      %get3A_223 = arith.constant 16 : index
      %get3A_224 = tpu.vector_load %arg9[%get3A_222, %get3A_223] {strides = array<i32>} : memref<10x208xf32, #tpu.memory_space<vmem>>, vector<16xf32>,
      %mul3A_225 = arith.mulf %get3A_20, %get3A_224 : vector<16xf32>
      %add3A_226 = arith.addf %mul3A_220, %mul3A_225 : vector<16xf32>
      %get3A_227 = arith.constant 2 : i32
      %get3A_228 = arith.index_cast %get3A_227 : i32 to index
      %get3A_229 = arith.constant 32 : index
      %get3A_230 = tpu.vector_load %arg9[%get3A_228, %get3A_229] {strides = array<i32>} : memref<10x208xf32, #tpu.memory_space<vmem>>, vector<16xf32>,
      %mul3A_231 = arith.mulf %get3A_22, %get3A_230 : vector<16xf32>
      %add3A_232 = arith.addf %add3A_226, %mul3A_231 : vector<16xf32>
      %get3A_233 = arith.constant 2 : i32
      %get3A_234 = arith.index_cast %get3A_233 : i32 to index
      %get3A_235 = arith.constant 48 : index
      %get3A_236 = tpu.vector_load %arg9[%get3A_234, %get3A_235] {strides = array<i32>} : memref<10x208xf32, #tpu.memory_space<vmem>>, vector<16xf32>,
      %mul3A_237 = arith.mulf %get3A_24, %get3A_236 : vector<16xf32>
      %add3A_238 = arith.addf %add3A_232, %mul3A_237 : vector<16xf32>
      %get3A_239 = arith.constant 2 : i32
      %get3A_240 = arith.index_cast %get3A_239 : i32 to index
      %get3A_241 = arith.constant 64 : index
      %get3A_242 = tpu.vector_load %arg9[%get3A_240, %get3A_241] {strides = array<i32>} : memref<10x208xf32, #tpu.memory_space<vmem>>, vector<16xf32>,
      %mul3A_243 = arith.mulf %get3A_26, %get3A_242 : vector<16xf32>
      %add3A_244 = arith.addf %add3A_238, %mul3A_243 : vector<16xf32>
      %get3A_245 = arith.constant 2 : i32
      %get3A_246 = arith.index_cast %get3A_245 : i32 to index
      %get3A_247 = arith.constant 80 : index
      %get3A_248 = tpu.vector_load %arg9[%get3A_246, %get3A_247] {strides = array<i32>} : memref<10x208xf32, #tpu.memory_space<vmem>>, vector<16xf32>,
      %mul3A_249 = arith.mulf %get3A_28, %get3A_248 : vector<16xf32>
      %add3A_250 = arith.addf %add3A_244, %mul3A_249 : vector<16xf32>
      %get3A_251 = arith.constant 2 : i32
      %get3A_252 = arith.index_cast %get3A_251 : i32 to index
      %get3A_253 = arith.constant 96 : index
      %get3A_254 = tpu.vector_load %arg9[%get3A_252, %get3A_253] {strides = array<i32>} : memref<10x208xf32, #tpu.memory_space<vmem>>, vector<16xf32>,
      %mul3A_255 = arith.mulf %get3A_30, %get3A_254 : vector<16xf32>
      %add3A_256 = arith.addf %add3A_250, %mul3A_255 : vector<16xf32>
      %get3A_257 = arith.constant 2 : i32
      %get3A_258 = arith.index_cast %get3A_257 : i32 to index
      %get3A_259 = arith.constant 112 : index
      %get3A_260 = tpu.vector_load %arg9[%get3A_258, %get3A_259] {strides = array<i32>} : memref<10x208xf32, #tpu.memory_space<vmem>>, vector<16xf32>,
      %mul3A_261 = arith.mulf %get3A_32, %get3A_260 : vector<16xf32>
      %add3A_262 = arith.addf %add3A_256, %mul3A_261 : vector<16xf32>
      %get3A_263 = arith.constant 2 : i32
      %get3A_264 = arith.index_cast %get3A_263 : i32 to index
      %get3A_265 = arith.constant 128 : index
      %get3A_266 = tpu.vector_load %arg9[%get3A_264, %get3A_265] {strides = array<i32>} : memref<10x208xf32, #tpu.memory_space<vmem>>, vector<16xf32>,
      %mul3A_267 = arith.mulf %get3A_34, %get3A_266 : vector<16xf32>
      %add3A_268 = arith.addf %add3A_262, %mul3A_267 : vector<16xf32>
      %get3A_269 = arith.constant 2 : i32
      %get3A_270 = arith.index_cast %get3A_269 : i32 to index
      %get3A_271 = arith.constant 144 : index
      %get3A_272 = tpu.vector_load %arg9[%get3A_270, %get3A_271] {strides = array<i32>} : memref<10x208xf32, #tpu.memory_space<vmem>>, vector<16xf32>,
      %mul3A_273 = arith.mulf %get3A_36, %get3A_272 : vector<16xf32>
      %add3A_274 = arith.addf %add3A_268, %mul3A_273 : vector<16xf32>
      %get3A_275 = arith.constant 2 : i32
      %get3A_276 = arith.index_cast %get3A_275 : i32 to index
      %get3A_277 = arith.constant 160 : index
      %get3A_278 = tpu.vector_load %arg9[%get3A_276, %get3A_277] {strides = array<i32>} : memref<10x208xf32, #tpu.memory_space<vmem>>, vector<16xf32>,
      %mul3A_279 = arith.mulf %get3A_38, %get3A_278 : vector<16xf32>
      %add3A_280 = arith.addf %add3A_274, %mul3A_279 : vector<16xf32>
      %get3A_281 = arith.constant 2 : i32
      %get3A_282 = arith.index_cast %get3A_281 : i32 to index
      %get3A_283 = arith.constant 176 : index
      %get3A_284 = tpu.vector_load %arg9[%get3A_282, %get3A_283] {strides = array<i32>} : memref<10x208xf32, #tpu.memory_space<vmem>>, vector<16xf32>,
      %mul3A_285 = arith.mulf %get3A_40, %get3A_284 : vector<16xf32>
      %add3A_286 = arith.addf %add3A_280, %mul3A_285 : vector<16xf32>
      %get3A_287 = arith.constant 2 : i32
      %get3A_288 = arith.index_cast %get3A_287 : i32 to index
      %get3A_289 = arith.constant 192 : index
      %get3A_290 = tpu.vector_load %arg9[%get3A_288, %get3A_289] {strides = array<i32>} : memref<10x208xf32, #tpu.memory_space<vmem>>, vector<16xf32>,
      %mul3A_291 = arith.mulf %get3A_42, %get3A_290 : vector<16xf32>
      %add3A_292 = arith.addf %add3A_286, %mul3A_291 : vector<16xf32>
      %eq3A_293 = arith.constant 2 : i32
      %eq3A_294 = vector.broadcast %eq3A_293 : i32 to vector<16xi32>
      %eq3A_295 = arith.cmpi eq, %iota3A, %eq3A_294 : vector<16xi32>
      %reduce_sum3A_296 = arith.constant true
      %reduce_sum3A_297 = vector.broadcast %reduce_sum3A_296 : i1 to vector<16xi1>
      %reduce_sum3A_298 = tpu.scan <sum>, %add3A_292 masked %reduce_sum3A_297 : vector<16xf32>, vector<16xi1> -> vector<16xf32>
      %reduce_sum3A_299 = vector.extract %reduce_sum3A_298[15] : f32 from vector<16xf32>
      %add3A_300 = vector.broadcast %reduce_sum3A_299 : f32 to vector<16xf32>
      %add3A_301 = arith.addf %select_n3A_215, %add3A_300 : vector<16xf32>
      %select_n3A_302 = arith.select %eq3A_295, %add3A_301, %select_n3A_215 : vector<16xi1>, vector<16xf32>
      %get3A_303 = arith.constant 3 : i32
      %get3A_304 = arith.index_cast %get3A_303 : i32 to index
      %get3A_305 = arith.constant 0 : index
      %get3A_306 = tpu.vector_load %arg9[%get3A_304, %get3A_305] {strides = array<i32>} : memref<10x208xf32, #tpu.memory_space<vmem>>, vector<16xf32>,
      %mul3A_307 = arith.mulf %get3A_18, %get3A_306 : vector<16xf32>
      %get3A_308 = arith.constant 3 : i32
      %get3A_309 = arith.index_cast %get3A_308 : i32 to index
      %get3A_310 = arith.constant 16 : index
      %get3A_311 = tpu.vector_load %arg9[%get3A_309, %get3A_310] {strides = array<i32>} : memref<10x208xf32, #tpu.memory_space<vmem>>, vector<16xf32>,
      %mul3A_312 = arith.mulf %get3A_20, %get3A_311 : vector<16xf32>
      %add3A_313 = arith.addf %mul3A_307, %mul3A_312 : vector<16xf32>
      %get3A_314 = arith.constant 3 : i32
      %get3A_315 = arith.index_cast %get3A_314 : i32 to index
      %get3A_316 = arith.constant 32 : index
      %get3A_317 = tpu.vector_load %arg9[%get3A_315, %get3A_316] {strides = array<i32>} : memref<10x208xf32, #tpu.memory_space<vmem>>, vector<16xf32>,
      %mul3A_318 = arith.mulf %get3A_22, %get3A_317 : vector<16xf32>
      %add3A_319 = arith.addf %add3A_313, %mul3A_318 : vector<16xf32>
      %get3A_320 = arith.constant 3 : i32
      %get3A_321 = arith.index_cast %get3A_320 : i32 to index
      %get3A_322 = arith.constant 48 : index
      %get3A_323 = tpu.vector_load %arg9[%get3A_321, %get3A_322] {strides = array<i32>} : memref<10x208xf32, #tpu.memory_space<vmem>>, vector<16xf32>,
      %mul3A_324 = arith.mulf %get3A_24, %get3A_323 : vector<16xf32>
      %add3A_325 = arith.addf %add3A_319, %mul3A_324 : vector<16xf32>
      %get3A_326 = arith.constant 3 : i32
      %get3A_327 = arith.index_cast %get3A_326 : i32 to index
      %get3A_328 = arith.constant 64 : index
      %get3A_329 = tpu.vector_load %arg9[%get3A_327, %get3A_328] {strides = array<i32>} : memref<10x208xf32, #tpu.memory_space<vmem>>, vector<16xf32>,
      %mul3A_330 = arith.mulf %get3A_26, %get3A_329 : vector<16xf32>
      %add3A_331 = arith.addf %add3A_325, %mul3A_330 : vector<16xf32>
      %get3A_332 = arith.constant 3 : i32
      %get3A_333 = arith.index_cast %get3A_332 : i32 to index
      %get3A_334 = arith.constant 80 : index
      %get3A_335 = tpu.vector_load %arg9[%get3A_333, %get3A_334] {strides = array<i32>} : memref<10x208xf32, #tpu.memory_space<vmem>>, vector<16xf32>,
      %mul3A_336 = arith.mulf %get3A_28, %get3A_335 : vector<16xf32>
      %add3A_337 = arith.addf %add3A_331, %mul3A_336 : vector<16xf32>
      %get3A_338 = arith.constant 3 : i32
      %get3A_339 = arith.index_cast %get3A_338 : i32 to index
      %get3A_340 = arith.constant 96 : index
      %get3A_341 = tpu.vector_load %arg9[%get3A_339, %get3A_340] {strides = array<i32>} : memref<10x208xf32, #tpu.memory_space<vmem>>, vector<16xf32>,
      %mul3A_342 = arith.mulf %get3A_30, %get3A_341 : vector<16xf32>
      %add3A_343 = arith.addf %add3A_337, %mul3A_342 : vector<16xf32>
      %get3A_344 = arith.constant 3 : i32
      %get3A_345 = arith.index_cast %get3A_344 : i32 to index
      %get3A_346 = arith.constant 112 : index
      %get3A_347 = tpu.vector_load %arg9[%get3A_345, %get3A_346] {strides = array<i32>} : memref<10x208xf32, #tpu.memory_space<vmem>>, vector<16xf32>,
      %mul3A_348 = arith.mulf %get3A_32, %get3A_347 : vector<16xf32>
      %add3A_349 = arith.addf %add3A_343, %mul3A_348 : vector<16xf32>
      %get3A_350 = arith.constant 3 : i32
      %get3A_351 = arith.index_cast %get3A_350 : i32 to index
      %get3A_352 = arith.constant 128 : index
      %get3A_353 = tpu.vector_load %arg9[%get3A_351, %get3A_352] {strides = array<i32>} : memref<10x208xf32, #tpu.memory_space<vmem>>, vector<16xf32>,
      %mul3A_354 = arith.mulf %get3A_34, %get3A_353 : vector<16xf32>
      %add3A_355 = arith.addf %add3A_349, %mul3A_354 : vector<16xf32>
      %get3A_356 = arith.constant 3 : i32
      %get3A_357 = arith.index_cast %get3A_356 : i32 to index
      %get3A_358 = arith.constant 144 : index
      %get3A_359 = tpu.vector_load %arg9[%get3A_357, %get3A_358] {strides = array<i32>} : memref<10x208xf32, #tpu.memory_space<vmem>>, vector<16xf32>,
      %mul3A_360 = arith.mulf %get3A_36, %get3A_359 : vector<16xf32>
      %add3A_361 = arith.addf %add3A_355, %mul3A_360 : vector<16xf32>
      %get3A_362 = arith.constant 3 : i32
      %get3A_363 = arith.index_cast %get3A_362 : i32 to index
      %get3A_364 = arith.constant 160 : index
      %get3A_365 = tpu.vector_load %arg9[%get3A_363, %get3A_364] {strides = array<i32>} : memref<10x208xf32, #tpu.memory_space<vmem>>, vector<16xf32>,
      %mul3A_366 = arith.mulf %get3A_38, %get3A_365 : vector<16xf32>
      %add3A_367 = arith.addf %add3A_361, %mul3A_366 : vector<16xf32>
      %get3A_368 = arith.constant 3 : i32
      %get3A_369 = arith.index_cast %get3A_368 : i32 to index
      %get3A_370 = arith.constant 176 : index
      %get3A_371 = tpu.vector_load %arg9[%get3A_369, %get3A_370] {strides = array<i32>} : memref<10x208xf32, #tpu.memory_space<vmem>>, vector<16xf32>,
      %mul3A_372 = arith.mulf %get3A_40, %get3A_371 : vector<16xf32>
      %add3A_373 = arith.addf %add3A_367, %mul3A_372 : vector<16xf32>
      %get3A_374 = arith.constant 3 : i32
      %get3A_375 = arith.index_cast %get3A_374 : i32 to index
      %get3A_376 = arith.constant 192 : index
      %get3A_377 = tpu.vector_load %arg9[%get3A_375, %get3A_376] {strides = array<i32>} : memref<10x208xf32, #tpu.memory_space<vmem>>, vector<16xf32>,
      %mul3A_378 = arith.mulf %get3A_42, %get3A_377 : vector<16xf32>
      %add3A_379 = arith.addf %add3A_373, %mul3A_378 : vector<16xf32>
      %eq3A_380 = arith.constant 3 : i32
      %eq3A_381 = vector.broadcast %eq3A_380 : i32 to vector<16xi32>
      %eq3A_382 = arith.cmpi eq, %iota3A, %eq3A_381 : vector<16xi32>
      %reduce_sum3A_383 = arith.constant true
      %reduce_sum3A_384 = vector.broadcast %reduce_sum3A_383 : i1 to vector<16xi1>
      %reduce_sum3A_385 = tpu.scan <sum>, %add3A_379 masked %reduce_sum3A_384 : vector<16xf32>, vector<16xi1> -> vector<16xf32>
      %reduce_sum3A_386 = vector.extract %reduce_sum3A_385[15] : f32 from vector<16xf32>
      %add3A_387 = vector.broadcast %reduce_sum3A_386 : f32 to vector<16xf32>
      %add3A_388 = arith.addf %select_n3A_302, %add3A_387 : vector<16xf32>
      %select_n3A_389 = arith.select %eq3A_382, %add3A_388, %select_n3A_302 : vector<16xi1>, vector<16xf32>
      %get3A_390 = arith.constant 4 : i32
      %get3A_391 = arith.index_cast %get3A_390 : i32 to index
      %get3A_392 = arith.constant 0 : index
      %get3A_393 = tpu.vector_load %arg9[%get3A_391, %get3A_392] {strides = array<i32>} : memref<10x208xf32, #tpu.memory_space<vmem>>, vector<16xf32>,
      %mul3A_394 = arith.mulf %get3A_18, %get3A_393 : vector<16xf32>
      %get3A_395 = arith.constant 4 : i32
      %get3A_396 = arith.index_cast %get3A_395 : i32 to index
      %get3A_397 = arith.constant 16 : index
      %get3A_398 = tpu.vector_load %arg9[%get3A_396, %get3A_397] {strides = array<i32>} : memref<10x208xf32, #tpu.memory_space<vmem>>, vector<16xf32>,
      %mul3A_399 = arith.mulf %get3A_20, %get3A_398 : vector<16xf32>
      %add3A_400 = arith.addf %mul3A_394, %mul3A_399 : vector<16xf32>
      %get3A_401 = arith.constant 4 : i32
      %get3A_402 = arith.index_cast %get3A_401 : i32 to index
      %get3A_403 = arith.constant 32 : index
      %get3A_404 = tpu.vector_load %arg9[%get3A_402, %get3A_403] {strides = array<i32>} : memref<10x208xf32, #tpu.memory_space<vmem>>, vector<16xf32>,
      %mul3A_405 = arith.mulf %get3A_22, %get3A_404 : vector<16xf32>
      %add3A_406 = arith.addf %add3A_400, %mul3A_405 : vector<16xf32>
      %get3A_407 = arith.constant 4 : i32
      %get3A_408 = arith.index_cast %get3A_407 : i32 to index
      %get3A_409 = arith.constant 48 : index
      %get3A_410 = tpu.vector_load %arg9[%get3A_408, %get3A_409] {strides = array<i32>} : memref<10x208xf32, #tpu.memory_space<vmem>>, vector<16xf32>,
      %mul3A_411 = arith.mulf %get3A_24, %get3A_410 : vector<16xf32>
      %add3A_412 = arith.addf %add3A_406, %mul3A_411 : vector<16xf32>
      %get3A_413 = arith.constant 4 : i32
      %get3A_414 = arith.index_cast %get3A_413 : i32 to index
      %get3A_415 = arith.constant 64 : index
      %get3A_416 = tpu.vector_load %arg9[%get3A_414, %get3A_415] {strides = array<i32>} : memref<10x208xf32, #tpu.memory_space<vmem>>, vector<16xf32>,
      %mul3A_417 = arith.mulf %get3A_26, %get3A_416 : vector<16xf32>
      %add3A_418 = arith.addf %add3A_412, %mul3A_417 : vector<16xf32>
      %get3A_419 = arith.constant 4 : i32
      %get3A_420 = arith.index_cast %get3A_419 : i32 to index
      %get3A_421 = arith.constant 80 : index
      %get3A_422 = tpu.vector_load %arg9[%get3A_420, %get3A_421] {strides = array<i32>} : memref<10x208xf32, #tpu.memory_space<vmem>>, vector<16xf32>,
      %mul3A_423 = arith.mulf %get3A_28, %get3A_422 : vector<16xf32>
      %add3A_424 = arith.addf %add3A_418, %mul3A_423 : vector<16xf32>
      %get3A_425 = arith.constant 4 : i32
      %get3A_426 = arith.index_cast %get3A_425 : i32 to index
      %get3A_427 = arith.constant 96 : index
      %get3A_428 = tpu.vector_load %arg9[%get3A_426, %get3A_427] {strides = array<i32>} : memref<10x208xf32, #tpu.memory_space<vmem>>, vector<16xf32>,
      %mul3A_429 = arith.mulf %get3A_30, %get3A_428 : vector<16xf32>
      %add3A_430 = arith.addf %add3A_424, %mul3A_429 : vector<16xf32>
      %get3A_431 = arith.constant 4 : i32
      %get3A_432 = arith.index_cast %get3A_431 : i32 to index
      %get3A_433 = arith.constant 112 : index
      %get3A_434 = tpu.vector_load %arg9[%get3A_432, %get3A_433] {strides = array<i32>} : memref<10x208xf32, #tpu.memory_space<vmem>>, vector<16xf32>,
      %mul3A_435 = arith.mulf %get3A_32, %get3A_434 : vector<16xf32>
      %add3A_436 = arith.addf %add3A_430, %mul3A_435 : vector<16xf32>
      %get3A_437 = arith.constant 4 : i32
      %get3A_438 = arith.index_cast %get3A_437 : i32 to index
      %get3A_439 = arith.constant 128 : index
      %get3A_440 = tpu.vector_load %arg9[%get3A_438, %get3A_439] {strides = array<i32>} : memref<10x208xf32, #tpu.memory_space<vmem>>, vector<16xf32>,
      %mul3A_441 = arith.mulf %get3A_34, %get3A_440 : vector<16xf32>
      %add3A_442 = arith.addf %add3A_436, %mul3A_441 : vector<16xf32>
      %get3A_443 = arith.constant 4 : i32
      %get3A_444 = arith.index_cast %get3A_443 : i32 to index
      %get3A_445 = arith.constant 144 : index
      %get3A_446 = tpu.vector_load %arg9[%get3A_444, %get3A_445] {strides = array<i32>} : memref<10x208xf32, #tpu.memory_space<vmem>>, vector<16xf32>,
      %mul3A_447 = arith.mulf %get3A_36, %get3A_446 : vector<16xf32>
      %add3A_448 = arith.addf %add3A_442, %mul3A_447 : vector<16xf32>
      %get3A_449 = arith.constant 4 : i32
      %get3A_450 = arith.index_cast %get3A_449 : i32 to index
      %get3A_451 = arith.constant 160 : index
      %get3A_452 = tpu.vector_load %arg9[%get3A_450, %get3A_451] {strides = array<i32>} : memref<10x208xf32, #tpu.memory_space<vmem>>, vector<16xf32>,
      %mul3A_453 = arith.mulf %get3A_38, %get3A_452 : vector<16xf32>
      %add3A_454 = arith.addf %add3A_448, %mul3A_453 : vector<16xf32>
      %get3A_455 = arith.constant 4 : i32
      %get3A_456 = arith.index_cast %get3A_455 : i32 to index
      %get3A_457 = arith.constant 176 : index
      %get3A_458 = tpu.vector_load %arg9[%get3A_456, %get3A_457] {strides = array<i32>} : memref<10x208xf32, #tpu.memory_space<vmem>>, vector<16xf32>,
      %mul3A_459 = arith.mulf %get3A_40, %get3A_458 : vector<16xf32>
      %add3A_460 = arith.addf %add3A_454, %mul3A_459 : vector<16xf32>
      %get3A_461 = arith.constant 4 : i32
      %get3A_462 = arith.index_cast %get3A_461 : i32 to index
      %get3A_463 = arith.constant 192 : index
      %get3A_464 = tpu.vector_load %arg9[%get3A_462, %get3A_463] {strides = array<i32>} : memref<10x208xf32, #tpu.memory_space<vmem>>, vector<16xf32>,
      %mul3A_465 = arith.mulf %get3A_42, %get3A_464 : vector<16xf32>
      %add3A_466 = arith.addf %add3A_460, %mul3A_465 : vector<16xf32>
      %eq3A_467 = arith.constant 4 : i32
      %eq3A_468 = vector.broadcast %eq3A_467 : i32 to vector<16xi32>
      %eq3A_469 = arith.cmpi eq, %iota3A, %eq3A_468 : vector<16xi32>
      %reduce_sum3A_470 = arith.constant true
      %reduce_sum3A_471 = vector.broadcast %reduce_sum3A_470 : i1 to vector<16xi1>
      %reduce_sum3A_472 = tpu.scan <sum>, %add3A_466 masked %reduce_sum3A_471 : vector<16xf32>, vector<16xi1> -> vector<16xf32>
      %reduce_sum3A_473 = vector.extract %reduce_sum3A_472[15] : f32 from vector<16xf32>
      %add3A_474 = vector.broadcast %reduce_sum3A_473 : f32 to vector<16xf32>
      %add3A_475 = arith.addf %select_n3A_389, %add3A_474 : vector<16xf32>
      %select_n3A_476 = arith.select %eq3A_469, %add3A_475, %select_n3A_389 : vector<16xi1>, vector<16xf32>
      %get3A_477 = arith.constant 5 : i32
      %get3A_478 = arith.index_cast %get3A_477 : i32 to index
      %get3A_479 = arith.constant 0 : index
      %get3A_480 = tpu.vector_load %arg9[%get3A_478, %get3A_479] {strides = array<i32>} : memref<10x208xf32, #tpu.memory_space<vmem>>, vector<16xf32>,
      %mul3A_481 = arith.mulf %get3A_18, %get3A_480 : vector<16xf32>
      %get3A_482 = arith.constant 5 : i32
      %get3A_483 = arith.index_cast %get3A_482 : i32 to index
      %get3A_484 = arith.constant 16 : index
      %get3A_485 = tpu.vector_load %arg9[%get3A_483, %get3A_484] {strides = array<i32>} : memref<10x208xf32, #tpu.memory_space<vmem>>, vector<16xf32>,
      %mul3A_486 = arith.mulf %get3A_20, %get3A_485 : vector<16xf32>
      %add3A_487 = arith.addf %mul3A_481, %mul3A_486 : vector<16xf32>
      %get3A_488 = arith.constant 5 : i32
      %get3A_489 = arith.index_cast %get3A_488 : i32 to index
      %get3A_490 = arith.constant 32 : index
      %get3A_491 = tpu.vector_load %arg9[%get3A_489, %get3A_490] {strides = array<i32>} : memref<10x208xf32, #tpu.memory_space<vmem>>, vector<16xf32>,
      %mul3A_492 = arith.mulf %get3A_22, %get3A_491 : vector<16xf32>
      %add3A_493 = arith.addf %add3A_487, %mul3A_492 : vector<16xf32>
      %get3A_494 = arith.constant 5 : i32
      %get3A_495 = arith.index_cast %get3A_494 : i32 to index
      %get3A_496 = arith.constant 48 : index
      %get3A_497 = tpu.vector_load %arg9[%get3A_495, %get3A_496] {strides = array<i32>} : memref<10x208xf32, #tpu.memory_space<vmem>>, vector<16xf32>,
      %mul3A_498 = arith.mulf %get3A_24, %get3A_497 : vector<16xf32>
      %add3A_499 = arith.addf %add3A_493, %mul3A_498 : vector<16xf32>
      %get3A_500 = arith.constant 5 : i32
      %get3A_501 = arith.index_cast %get3A_500 : i32 to index
      %get3A_502 = arith.constant 64 : index
      %get3A_503 = tpu.vector_load %arg9[%get3A_501, %get3A_502] {strides = array<i32>} : memref<10x208xf32, #tpu.memory_space<vmem>>, vector<16xf32>,
      %mul3A_504 = arith.mulf %get3A_26, %get3A_503 : vector<16xf32>
      %add3A_505 = arith.addf %add3A_499, %mul3A_504 : vector<16xf32>
      %get3A_506 = arith.constant 5 : i32
      %get3A_507 = arith.index_cast %get3A_506 : i32 to index
      %get3A_508 = arith.constant 80 : index
      %get3A_509 = tpu.vector_load %arg9[%get3A_507, %get3A_508] {strides = array<i32>} : memref<10x208xf32, #tpu.memory_space<vmem>>, vector<16xf32>,
      %mul3A_510 = arith.mulf %get3A_28, %get3A_509 : vector<16xf32>
      %add3A_511 = arith.addf %add3A_505, %mul3A_510 : vector<16xf32>
      %get3A_512 = arith.constant 5 : i32
      %get3A_513 = arith.index_cast %get3A_512 : i32 to index
      %get3A_514 = arith.constant 96 : index
      %get3A_515 = tpu.vector_load %arg9[%get3A_513, %get3A_514] {strides = array<i32>} : memref<10x208xf32, #tpu.memory_space<vmem>>, vector<16xf32>,
      %mul3A_516 = arith.mulf %get3A_30, %get3A_515 : vector<16xf32>
      %add3A_517 = arith.addf %add3A_511, %mul3A_516 : vector<16xf32>
      %get3A_518 = arith.constant 5 : i32
      %get3A_519 = arith.index_cast %get3A_518 : i32 to index
      %get3A_520 = arith.constant 112 : index
      %get3A_521 = tpu.vector_load %arg9[%get3A_519, %get3A_520] {strides = array<i32>} : memref<10x208xf32, #tpu.memory_space<vmem>>, vector<16xf32>,
      %mul3A_522 = arith.mulf %get3A_32, %get3A_521 : vector<16xf32>
      %add3A_523 = arith.addf %add3A_517, %mul3A_522 : vector<16xf32>
      %get3A_524 = arith.constant 5 : i32
      %get3A_525 = arith.index_cast %get3A_524 : i32 to index
      %get3A_526 = arith.constant 128 : index
      %get3A_527 = tpu.vector_load %arg9[%get3A_525, %get3A_526] {strides = array<i32>} : memref<10x208xf32, #tpu.memory_space<vmem>>, vector<16xf32>,
      %mul3A_528 = arith.mulf %get3A_34, %get3A_527 : vector<16xf32>
      %add3A_529 = arith.addf %add3A_523, %mul3A_528 : vector<16xf32>
      %get3A_530 = arith.constant 5 : i32
      %get3A_531 = arith.index_cast %get3A_530 : i32 to index
      %get3A_532 = arith.constant 144 : index
      %get3A_533 = tpu.vector_load %arg9[%get3A_531, %get3A_532] {strides = array<i32>} : memref<10x208xf32, #tpu.memory_space<vmem>>, vector<16xf32>,
      %mul3A_534 = arith.mulf %get3A_36, %get3A_533 : vector<16xf32>
      %add3A_535 = arith.addf %add3A_529, %mul3A_534 : vector<16xf32>
      %get3A_536 = arith.constant 5 : i32
      %get3A_537 = arith.index_cast %get3A_536 : i32 to index
      %get3A_538 = arith.constant 160 : index
      %get3A_539 = tpu.vector_load %arg9[%get3A_537, %get3A_538] {strides = array<i32>} : memref<10x208xf32, #tpu.memory_space<vmem>>, vector<16xf32>,
      %mul3A_540 = arith.mulf %get3A_38, %get3A_539 : vector<16xf32>
      %add3A_541 = arith.addf %add3A_535, %mul3A_540 : vector<16xf32>
      %get3A_542 = arith.constant 5 : i32
      %get3A_543 = arith.index_cast %get3A_542 : i32 to index
      %get3A_544 = arith.constant 176 : index
      %get3A_545 = tpu.vector_load %arg9[%get3A_543, %get3A_544] {strides = array<i32>} : memref<10x208xf32, #tpu.memory_space<vmem>>, vector<16xf32>,
      %mul3A_546 = arith.mulf %get3A_40, %get3A_545 : vector<16xf32>
      %add3A_547 = arith.addf %add3A_541, %mul3A_546 : vector<16xf32>
      %get3A_548 = arith.constant 5 : i32
      %get3A_549 = arith.index_cast %get3A_548 : i32 to index
      %get3A_550 = arith.constant 192 : index
      %get3A_551 = tpu.vector_load %arg9[%get3A_549, %get3A_550] {strides = array<i32>} : memref<10x208xf32, #tpu.memory_space<vmem>>, vector<16xf32>,
      %mul3A_552 = arith.mulf %get3A_42, %get3A_551 : vector<16xf32>
      %add3A_553 = arith.addf %add3A_547, %mul3A_552 : vector<16xf32>
      %eq3A_554 = arith.constant 5 : i32
      %eq3A_555 = vector.broadcast %eq3A_554 : i32 to vector<16xi32>
      %eq3A_556 = arith.cmpi eq, %iota3A, %eq3A_555 : vector<16xi32>
      %reduce_sum3A_557 = arith.constant true
      %reduce_sum3A_558 = vector.broadcast %reduce_sum3A_557 : i1 to vector<16xi1>
      %reduce_sum3A_559 = tpu.scan <sum>, %add3A_553 masked %reduce_sum3A_558 : vector<16xf32>, vector<16xi1> -> vector<16xf32>
      %reduce_sum3A_560 = vector.extract %reduce_sum3A_559[15] : f32 from vector<16xf32>
      %add3A_561 = vector.broadcast %reduce_sum3A_560 : f32 to vector<16xf32>
      %add3A_562 = arith.addf %select_n3A_476, %add3A_561 : vector<16xf32>
      %select_n3A_563 = arith.select %eq3A_556, %add3A_562, %select_n3A_476 : vector<16xi1>, vector<16xf32>
      %get3A_564 = arith.constant 6 : i32
      %get3A_565 = arith.index_cast %get3A_564 : i32 to index
      %get3A_566 = arith.constant 0 : index
      %get3A_567 = tpu.vector_load %arg9[%get3A_565, %get3A_566] {strides = array<i32>} : memref<10x208xf32, #tpu.memory_space<vmem>>, vector<16xf32>,
      %mul3A_568 = arith.mulf %get3A_18, %get3A_567 : vector<16xf32>
      %get3A_569 = arith.constant 6 : i32
      %get3A_570 = arith.index_cast %get3A_569 : i32 to index
      %get3A_571 = arith.constant 16 : index
      %get3A_572 = tpu.vector_load %arg9[%get3A_570, %get3A_571] {strides = array<i32>} : memref<10x208xf32, #tpu.memory_space<vmem>>, vector<16xf32>,
      %mul3A_573 = arith.mulf %get3A_20, %get3A_572 : vector<16xf32>
      %add3A_574 = arith.addf %mul3A_568, %mul3A_573 : vector<16xf32>
      %get3A_575 = arith.constant 6 : i32
      %get3A_576 = arith.index_cast %get3A_575 : i32 to index
      %get3A_577 = arith.constant 32 : index
      %get3A_578 = tpu.vector_load %arg9[%get3A_576, %get3A_577] {strides = array<i32>} : memref<10x208xf32, #tpu.memory_space<vmem>>, vector<16xf32>,
      %mul3A_579 = arith.mulf %get3A_22, %get3A_578 : vector<16xf32>
      %add3A_580 = arith.addf %add3A_574, %mul3A_579 : vector<16xf32>
      %get3A_581 = arith.constant 6 : i32
      %get3A_582 = arith.index_cast %get3A_581 : i32 to index
      %get3A_583 = arith.constant 48 : index
      %get3A_584 = tpu.vector_load %arg9[%get3A_582, %get3A_583] {strides = array<i32>} : memref<10x208xf32, #tpu.memory_space<vmem>>, vector<16xf32>,
      %mul3A_585 = arith.mulf %get3A_24, %get3A_584 : vector<16xf32>
      %add3A_586 = arith.addf %add3A_580, %mul3A_585 : vector<16xf32>
      %get3A_587 = arith.constant 6 : i32
      %get3A_588 = arith.index_cast %get3A_587 : i32 to index
      %get3A_589 = arith.constant 64 : index
      %get3A_590 = tpu.vector_load %arg9[%get3A_588, %get3A_589] {strides = array<i32>} : memref<10x208xf32, #tpu.memory_space<vmem>>, vector<16xf32>,
      %mul3A_591 = arith.mulf %get3A_26, %get3A_590 : vector<16xf32>
      %add3A_592 = arith.addf %add3A_586, %mul3A_591 : vector<16xf32>
      %get3A_593 = arith.constant 6 : i32
      %get3A_594 = arith.index_cast %get3A_593 : i32 to index
      %get3A_595 = arith.constant 80 : index
      %get3A_596 = tpu.vector_load %arg9[%get3A_594, %get3A_595] {strides = array<i32>} : memref<10x208xf32, #tpu.memory_space<vmem>>, vector<16xf32>,
      %mul3A_597 = arith.mulf %get3A_28, %get3A_596 : vector<16xf32>
      %add3A_598 = arith.addf %add3A_592, %mul3A_597 : vector<16xf32>
      %get3A_599 = arith.constant 6 : i32
      %get3A_600 = arith.index_cast %get3A_599 : i32 to index
      %get3A_601 = arith.constant 96 : index
      %get3A_602 = tpu.vector_load %arg9[%get3A_600, %get3A_601] {strides = array<i32>} : memref<10x208xf32, #tpu.memory_space<vmem>>, vector<16xf32>,
      %mul3A_603 = arith.mulf %get3A_30, %get3A_602 : vector<16xf32>
      %add3A_604 = arith.addf %add3A_598, %mul3A_603 : vector<16xf32>
      %get3A_605 = arith.constant 6 : i32
      %get3A_606 = arith.index_cast %get3A_605 : i32 to index
      %get3A_607 = arith.constant 112 : index
      %get3A_608 = tpu.vector_load %arg9[%get3A_606, %get3A_607] {strides = array<i32>} : memref<10x208xf32, #tpu.memory_space<vmem>>, vector<16xf32>,
      %mul3A_609 = arith.mulf %get3A_32, %get3A_608 : vector<16xf32>
      %add3A_610 = arith.addf %add3A_604, %mul3A_609 : vector<16xf32>
      %get3A_611 = arith.constant 6 : i32
      %get3A_612 = arith.index_cast %get3A_611 : i32 to index
      %get3A_613 = arith.constant 128 : index
      %get3A_614 = tpu.vector_load %arg9[%get3A_612, %get3A_613] {strides = array<i32>} : memref<10x208xf32, #tpu.memory_space<vmem>>, vector<16xf32>,
      %mul3A_615 = arith.mulf %get3A_34, %get3A_614 : vector<16xf32>
      %add3A_616 = arith.addf %add3A_610, %mul3A_615 : vector<16xf32>
      %get3A_617 = arith.constant 6 : i32
      %get3A_618 = arith.index_cast %get3A_617 : i32 to index
      %get3A_619 = arith.constant 144 : index
      %get3A_620 = tpu.vector_load %arg9[%get3A_618, %get3A_619] {strides = array<i32>} : memref<10x208xf32, #tpu.memory_space<vmem>>, vector<16xf32>,
      %mul3A_621 = arith.mulf %get3A_36, %get3A_620 : vector<16xf32>
      %add3A_622 = arith.addf %add3A_616, %mul3A_621 : vector<16xf32>
      %get3A_623 = arith.constant 6 : i32
      %get3A_624 = arith.index_cast %get3A_623 : i32 to index
      %get3A_625 = arith.constant 160 : index
      %get3A_626 = tpu.vector_load %arg9[%get3A_624, %get3A_625] {strides = array<i32>} : memref<10x208xf32, #tpu.memory_space<vmem>>, vector<16xf32>,
      %mul3A_627 = arith.mulf %get3A_38, %get3A_626 : vector<16xf32>
      %add3A_628 = arith.addf %add3A_622, %mul3A_627 : vector<16xf32>
      %get3A_629 = arith.constant 6 : i32
      %get3A_630 = arith.index_cast %get3A_629 : i32 to index
      %get3A_631 = arith.constant 176 : index
      %get3A_632 = tpu.vector_load %arg9[%get3A_630, %get3A_631] {strides = array<i32>} : memref<10x208xf32, #tpu.memory_space<vmem>>, vector<16xf32>,
      %mul3A_633 = arith.mulf %get3A_40, %get3A_632 : vector<16xf32>
      %add3A_634 = arith.addf %add3A_628, %mul3A_633 : vector<16xf32>
      %get3A_635 = arith.constant 6 : i32
      %get3A_636 = arith.index_cast %get3A_635 : i32 to index
      %get3A_637 = arith.constant 192 : index
      %get3A_638 = tpu.vector_load %arg9[%get3A_636, %get3A_637] {strides = array<i32>} : memref<10x208xf32, #tpu.memory_space<vmem>>, vector<16xf32>,
      %mul3A_639 = arith.mulf %get3A_42, %get3A_638 : vector<16xf32>
      %add3A_640 = arith.addf %add3A_634, %mul3A_639 : vector<16xf32>
      %eq3A_641 = arith.constant 6 : i32
      %eq3A_642 = vector.broadcast %eq3A_641 : i32 to vector<16xi32>
      %eq3A_643 = arith.cmpi eq, %iota3A, %eq3A_642 : vector<16xi32>
      %reduce_sum3A_644 = arith.constant true
      %reduce_sum3A_645 = vector.broadcast %reduce_sum3A_644 : i1 to vector<16xi1>
      %reduce_sum3A_646 = tpu.scan <sum>, %add3A_640 masked %reduce_sum3A_645 : vector<16xf32>, vector<16xi1> -> vector<16xf32>
      %reduce_sum3A_647 = vector.extract %reduce_sum3A_646[15] : f32 from vector<16xf32>
      %add3A_648 = vector.broadcast %reduce_sum3A_647 : f32 to vector<16xf32>
      %add3A_649 = arith.addf %select_n3A_563, %add3A_648 : vector<16xf32>
      %select_n3A_650 = arith.select %eq3A_643, %add3A_649, %select_n3A_563 : vector<16xi1>, vector<16xf32>
      %get3A_651 = arith.constant 7 : i32
      %get3A_652 = arith.index_cast %get3A_651 : i32 to index
      %get3A_653 = arith.constant 0 : index
      %get3A_654 = tpu.vector_load %arg9[%get3A_652, %get3A_653] {strides = array<i32>} : memref<10x208xf32, #tpu.memory_space<vmem>>, vector<16xf32>,
      %mul3A_655 = arith.mulf %get3A_18, %get3A_654 : vector<16xf32>
      %get3A_656 = arith.constant 7 : i32
      %get3A_657 = arith.index_cast %get3A_656 : i32 to index
      %get3A_658 = arith.constant 16 : index
      %get3A_659 = tpu.vector_load %arg9[%get3A_657, %get3A_658] {strides = array<i32>} : memref<10x208xf32, #tpu.memory_space<vmem>>, vector<16xf32>,
      %mul3A_660 = arith.mulf %get3A_20, %get3A_659 : vector<16xf32>
      %add3A_661 = arith.addf %mul3A_655, %mul3A_660 : vector<16xf32>
      %get3A_662 = arith.constant 7 : i32
      %get3A_663 = arith.index_cast %get3A_662 : i32 to index
      %get3A_664 = arith.constant 32 : index
      %get3A_665 = tpu.vector_load %arg9[%get3A_663, %get3A_664] {strides = array<i32>} : memref<10x208xf32, #tpu.memory_space<vmem>>, vector<16xf32>,
      %mul3A_666 = arith.mulf %get3A_22, %get3A_665 : vector<16xf32>
      %add3A_667 = arith.addf %add3A_661, %mul3A_666 : vector<16xf32>
      %get3A_668 = arith.constant 7 : i32
      %get3A_669 = arith.index_cast %get3A_668 : i32 to index
      %get3A_670 = arith.constant 48 : index
      %get3A_671 = tpu.vector_load %arg9[%get3A_669, %get3A_670] {strides = array<i32>} : memref<10x208xf32, #tpu.memory_space<vmem>>, vector<16xf32>,
      %mul3A_672 = arith.mulf %get3A_24, %get3A_671 : vector<16xf32>
      %add3A_673 = arith.addf %add3A_667, %mul3A_672 : vector<16xf32>
      %get3A_674 = arith.constant 7 : i32
      %get3A_675 = arith.index_cast %get3A_674 : i32 to index
      %get3A_676 = arith.constant 64 : index
      %get3A_677 = tpu.vector_load %arg9[%get3A_675, %get3A_676] {strides = array<i32>} : memref<10x208xf32, #tpu.memory_space<vmem>>, vector<16xf32>,
      %mul3A_678 = arith.mulf %get3A_26, %get3A_677 : vector<16xf32>
      %add3A_679 = arith.addf %add3A_673, %mul3A_678 : vector<16xf32>
      %get3A_680 = arith.constant 7 : i32
      %get3A_681 = arith.index_cast %get3A_680 : i32 to index
      %get3A_682 = arith.constant 80 : index
      %get3A_683 = tpu.vector_load %arg9[%get3A_681, %get3A_682] {strides = array<i32>} : memref<10x208xf32, #tpu.memory_space<vmem>>, vector<16xf32>,
      %mul3A_684 = arith.mulf %get3A_28, %get3A_683 : vector<16xf32>
      %add3A_685 = arith.addf %add3A_679, %mul3A_684 : vector<16xf32>
      %get3A_686 = arith.constant 7 : i32
      %get3A_687 = arith.index_cast %get3A_686 : i32 to index
      %get3A_688 = arith.constant 96 : index
      %get3A_689 = tpu.vector_load %arg9[%get3A_687, %get3A_688] {strides = array<i32>} : memref<10x208xf32, #tpu.memory_space<vmem>>, vector<16xf32>,
      %mul3A_690 = arith.mulf %get3A_30, %get3A_689 : vector<16xf32>
      %add3A_691 = arith.addf %add3A_685, %mul3A_690 : vector<16xf32>
      %get3A_692 = arith.constant 7 : i32
      %get3A_693 = arith.index_cast %get3A_692 : i32 to index
      %get3A_694 = arith.constant 112 : index
      %get3A_695 = tpu.vector_load %arg9[%get3A_693, %get3A_694] {strides = array<i32>} : memref<10x208xf32, #tpu.memory_space<vmem>>, vector<16xf32>,
      %mul3A_696 = arith.mulf %get3A_32, %get3A_695 : vector<16xf32>
      %add3A_697 = arith.addf %add3A_691, %mul3A_696 : vector<16xf32>
      %get3A_698 = arith.constant 7 : i32
      %get3A_699 = arith.index_cast %get3A_698 : i32 to index
      %get3A_700 = arith.constant 128 : index
      %get3A_701 = tpu.vector_load %arg9[%get3A_699, %get3A_700] {strides = array<i32>} : memref<10x208xf32, #tpu.memory_space<vmem>>, vector<16xf32>,
      %mul3A_702 = arith.mulf %get3A_34, %get3A_701 : vector<16xf32>
      %add3A_703 = arith.addf %add3A_697, %mul3A_702 : vector<16xf32>
      %get3A_704 = arith.constant 7 : i32
      %get3A_705 = arith.index_cast %get3A_704 : i32 to index
      %get3A_706 = arith.constant 144 : index
      %get3A_707 = tpu.vector_load %arg9[%get3A_705, %get3A_706] {strides = array<i32>} : memref<10x208xf32, #tpu.memory_space<vmem>>, vector<16xf32>,
      %mul3A_708 = arith.mulf %get3A_36, %get3A_707 : vector<16xf32>
      %add3A_709 = arith.addf %add3A_703, %mul3A_708 : vector<16xf32>
      %get3A_710 = arith.constant 7 : i32
      %get3A_711 = arith.index_cast %get3A_710 : i32 to index
      %get3A_712 = arith.constant 160 : index
      %get3A_713 = tpu.vector_load %arg9[%get3A_711, %get3A_712] {strides = array<i32>} : memref<10x208xf32, #tpu.memory_space<vmem>>, vector<16xf32>,
      %mul3A_714 = arith.mulf %get3A_38, %get3A_713 : vector<16xf32>
      %add3A_715 = arith.addf %add3A_709, %mul3A_714 : vector<16xf32>
      %get3A_716 = arith.constant 7 : i32
      %get3A_717 = arith.index_cast %get3A_716 : i32 to index
      %get3A_718 = arith.constant 176 : index
      %get3A_719 = tpu.vector_load %arg9[%get3A_717, %get3A_718] {strides = array<i32>} : memref<10x208xf32, #tpu.memory_space<vmem>>, vector<16xf32>,
      %mul3A_720 = arith.mulf %get3A_40, %get3A_719 : vector<16xf32>
      %add3A_721 = arith.addf %add3A_715, %mul3A_720 : vector<16xf32>
      %get3A_722 = arith.constant 7 : i32
      %get3A_723 = arith.index_cast %get3A_722 : i32 to index
      %get3A_724 = arith.constant 192 : index
      %get3A_725 = tpu.vector_load %arg9[%get3A_723, %get3A_724] {strides = array<i32>} : memref<10x208xf32, #tpu.memory_space<vmem>>, vector<16xf32>,
      %mul3A_726 = arith.mulf %get3A_42, %get3A_725 : vector<16xf32>
      %add3A_727 = arith.addf %add3A_721, %mul3A_726 : vector<16xf32>
      %eq3A_728 = arith.constant 7 : i32
      %eq3A_729 = vector.broadcast %eq3A_728 : i32 to vector<16xi32>
      %eq3A_730 = arith.cmpi eq, %iota3A, %eq3A_729 : vector<16xi32>
      %reduce_sum3A_731 = arith.constant true
      %reduce_sum3A_732 = vector.broadcast %reduce_sum3A_731 : i1 to vector<16xi1>
      %reduce_sum3A_733 = tpu.scan <sum>, %add3A_727 masked %reduce_sum3A_732 : vector<16xf32>, vector<16xi1> -> vector<16xf32>
      %reduce_sum3A_734 = vector.extract %reduce_sum3A_733[15] : f32 from vector<16xf32>
      %add3A_735 = vector.broadcast %reduce_sum3A_734 : f32 to vector<16xf32>
      %add3A_736 = arith.addf %select_n3A_650, %add3A_735 : vector<16xf32>
      %select_n3A_737 = arith.select %eq3A_730, %add3A_736, %select_n3A_650 : vector<16xi1>, vector<16xf32>
      %get3A_738 = arith.constant 8 : i32
      %get3A_739 = arith.index_cast %get3A_738 : i32 to index
      %get3A_740 = arith.constant 0 : index
      %get3A_741 = tpu.vector_load %arg9[%get3A_739, %get3A_740] {strides = array<i32>} : memref<10x208xf32, #tpu.memory_space<vmem>>, vector<16xf32>,
      %mul3A_742 = arith.mulf %get3A_18, %get3A_741 : vector<16xf32>
      %get3A_743 = arith.constant 8 : i32
      %get3A_744 = arith.index_cast %get3A_743 : i32 to index
      %get3A_745 = arith.constant 16 : index
      %get3A_746 = tpu.vector_load %arg9[%get3A_744, %get3A_745] {strides = array<i32>} : memref<10x208xf32, #tpu.memory_space<vmem>>, vector<16xf32>,
      %mul3A_747 = arith.mulf %get3A_20, %get3A_746 : vector<16xf32>
      %add3A_748 = arith.addf %mul3A_742, %mul3A_747 : vector<16xf32>
      %get3A_749 = arith.constant 8 : i32
      %get3A_750 = arith.index_cast %get3A_749 : i32 to index
      %get3A_751 = arith.constant 32 : index
      %get3A_752 = tpu.vector_load %arg9[%get3A_750, %get3A_751] {strides = array<i32>} : memref<10x208xf32, #tpu.memory_space<vmem>>, vector<16xf32>,
      %mul3A_753 = arith.mulf %get3A_22, %get3A_752 : vector<16xf32>
      %add3A_754 = arith.addf %add3A_748, %mul3A_753 : vector<16xf32>
      %get3A_755 = arith.constant 8 : i32
      %get3A_756 = arith.index_cast %get3A_755 : i32 to index
      %get3A_757 = arith.constant 48 : index
      %get3A_758 = tpu.vector_load %arg9[%get3A_756, %get3A_757] {strides = array<i32>} : memref<10x208xf32, #tpu.memory_space<vmem>>, vector<16xf32>,
      %mul3A_759 = arith.mulf %get3A_24, %get3A_758 : vector<16xf32>
      %add3A_760 = arith.addf %add3A_754, %mul3A_759 : vector<16xf32>
      %get3A_761 = arith.constant 8 : i32
      %get3A_762 = arith.index_cast %get3A_761 : i32 to index
      %get3A_763 = arith.constant 64 : index
      %get3A_764 = tpu.vector_load %arg9[%get3A_762, %get3A_763] {strides = array<i32>} : memref<10x208xf32, #tpu.memory_space<vmem>>, vector<16xf32>,
      %mul3A_765 = arith.mulf %get3A_26, %get3A_764 : vector<16xf32>
      %add3A_766 = arith.addf %add3A_760, %mul3A_765 : vector<16xf32>
      %get3A_767 = arith.constant 8 : i32
      %get3A_768 = arith.index_cast %get3A_767 : i32 to index
      %get3A_769 = arith.constant 80 : index
      %get3A_770 = tpu.vector_load %arg9[%get3A_768, %get3A_769] {strides = array<i32>} : memref<10x208xf32, #tpu.memory_space<vmem>>, vector<16xf32>,
      %mul3A_771 = arith.mulf %get3A_28, %get3A_770 : vector<16xf32>
      %add3A_772 = arith.addf %add3A_766, %mul3A_771 : vector<16xf32>
      %get3A_773 = arith.constant 8 : i32
      %get3A_774 = arith.index_cast %get3A_773 : i32 to index
      %get3A_775 = arith.constant 96 : index
      %get3A_776 = tpu.vector_load %arg9[%get3A_774, %get3A_775] {strides = array<i32>} : memref<10x208xf32, #tpu.memory_space<vmem>>, vector<16xf32>,
      %mul3A_777 = arith.mulf %get3A_30, %get3A_776 : vector<16xf32>
      %add3A_778 = arith.addf %add3A_772, %mul3A_777 : vector<16xf32>
      %get3A_779 = arith.constant 8 : i32
      %get3A_780 = arith.index_cast %get3A_779 : i32 to index
      %get3A_781 = arith.constant 112 : index
      %get3A_782 = tpu.vector_load %arg9[%get3A_780, %get3A_781] {strides = array<i32>} : memref<10x208xf32, #tpu.memory_space<vmem>>, vector<16xf32>,
      %mul3A_783 = arith.mulf %get3A_32, %get3A_782 : vector<16xf32>
      %add3A_784 = arith.addf %add3A_778, %mul3A_783 : vector<16xf32>
      %get3A_785 = arith.constant 8 : i32
      %get3A_786 = arith.index_cast %get3A_785 : i32 to index
      %get3A_787 = arith.constant 128 : index
      %get3A_788 = tpu.vector_load %arg9[%get3A_786, %get3A_787] {strides = array<i32>} : memref<10x208xf32, #tpu.memory_space<vmem>>, vector<16xf32>,
      %mul3A_789 = arith.mulf %get3A_34, %get3A_788 : vector<16xf32>
      %add3A_790 = arith.addf %add3A_784, %mul3A_789 : vector<16xf32>
      %get3A_791 = arith.constant 8 : i32
      %get3A_792 = arith.index_cast %get3A_791 : i32 to index
      %get3A_793 = arith.constant 144 : index
      %get3A_794 = tpu.vector_load %arg9[%get3A_792, %get3A_793] {strides = array<i32>} : memref<10x208xf32, #tpu.memory_space<vmem>>, vector<16xf32>,
      %mul3A_795 = arith.mulf %get3A_36, %get3A_794 : vector<16xf32>
      %add3A_796 = arith.addf %add3A_790, %mul3A_795 : vector<16xf32>
      %get3A_797 = arith.constant 8 : i32
      %get3A_798 = arith.index_cast %get3A_797 : i32 to index
      %get3A_799 = arith.constant 160 : index
      %get3A_800 = tpu.vector_load %arg9[%get3A_798, %get3A_799] {strides = array<i32>} : memref<10x208xf32, #tpu.memory_space<vmem>>, vector<16xf32>,
      %mul3A_801 = arith.mulf %get3A_38, %get3A_800 : vector<16xf32>
      %add3A_802 = arith.addf %add3A_796, %mul3A_801 : vector<16xf32>
      %get3A_803 = arith.constant 8 : i32
      %get3A_804 = arith.index_cast %get3A_803 : i32 to index
      %get3A_805 = arith.constant 176 : index
      %get3A_806 = tpu.vector_load %arg9[%get3A_804, %get3A_805] {strides = array<i32>} : memref<10x208xf32, #tpu.memory_space<vmem>>, vector<16xf32>,
      %mul3A_807 = arith.mulf %get3A_40, %get3A_806 : vector<16xf32>
      %add3A_808 = arith.addf %add3A_802, %mul3A_807 : vector<16xf32>
      %get3A_809 = arith.constant 8 : i32
      %get3A_810 = arith.index_cast %get3A_809 : i32 to index
      %get3A_811 = arith.constant 192 : index
      %get3A_812 = tpu.vector_load %arg9[%get3A_810, %get3A_811] {strides = array<i32>} : memref<10x208xf32, #tpu.memory_space<vmem>>, vector<16xf32>,
      %mul3A_813 = arith.mulf %get3A_42, %get3A_812 : vector<16xf32>
      %add3A_814 = arith.addf %add3A_808, %mul3A_813 : vector<16xf32>
      %eq3A_815 = arith.constant 8 : i32
      %eq3A_816 = vector.broadcast %eq3A_815 : i32 to vector<16xi32>
      %eq3A_817 = arith.cmpi eq, %iota3A, %eq3A_816 : vector<16xi32>
      %reduce_sum3A_818 = arith.constant true
      %reduce_sum3A_819 = vector.broadcast %reduce_sum3A_818 : i1 to vector<16xi1>
      %reduce_sum3A_820 = tpu.scan <sum>, %add3A_814 masked %reduce_sum3A_819 : vector<16xf32>, vector<16xi1> -> vector<16xf32>
      %reduce_sum3A_821 = vector.extract %reduce_sum3A_820[15] : f32 from vector<16xf32>
      %add3A_822 = vector.broadcast %reduce_sum3A_821 : f32 to vector<16xf32>
      %add3A_823 = arith.addf %select_n3A_737, %add3A_822 : vector<16xf32>
      %select_n3A_824 = arith.select %eq3A_817, %add3A_823, %select_n3A_737 : vector<16xi1>, vector<16xf32>
      %get3A_825 = arith.constant 9 : i32
      %get3A_826 = arith.index_cast %get3A_825 : i32 to index
      %get3A_827 = arith.constant 0 : index
      %get3A_828 = tpu.vector_load %arg9[%get3A_826, %get3A_827] {strides = array<i32>} : memref<10x208xf32, #tpu.memory_space<vmem>>, vector<16xf32>,
      %mul3A_829 = arith.mulf %get3A_18, %get3A_828 : vector<16xf32>
      %get3A_830 = arith.constant 9 : i32
      %get3A_831 = arith.index_cast %get3A_830 : i32 to index
      %get3A_832 = arith.constant 16 : index
      %get3A_833 = tpu.vector_load %arg9[%get3A_831, %get3A_832] {strides = array<i32>} : memref<10x208xf32, #tpu.memory_space<vmem>>, vector<16xf32>,
      %mul3A_834 = arith.mulf %get3A_20, %get3A_833 : vector<16xf32>
      %add3A_835 = arith.addf %mul3A_829, %mul3A_834 : vector<16xf32>
      %get3A_836 = arith.constant 9 : i32
      %get3A_837 = arith.index_cast %get3A_836 : i32 to index
      %get3A_838 = arith.constant 32 : index
      %get3A_839 = tpu.vector_load %arg9[%get3A_837, %get3A_838] {strides = array<i32>} : memref<10x208xf32, #tpu.memory_space<vmem>>, vector<16xf32>,
      %mul3A_840 = arith.mulf %get3A_22, %get3A_839 : vector<16xf32>
      %add3A_841 = arith.addf %add3A_835, %mul3A_840 : vector<16xf32>
      %get3A_842 = arith.constant 9 : i32
      %get3A_843 = arith.index_cast %get3A_842 : i32 to index
      %get3A_844 = arith.constant 48 : index
      %get3A_845 = tpu.vector_load %arg9[%get3A_843, %get3A_844] {strides = array<i32>} : memref<10x208xf32, #tpu.memory_space<vmem>>, vector<16xf32>,
      %mul3A_846 = arith.mulf %get3A_24, %get3A_845 : vector<16xf32>
      %add3A_847 = arith.addf %add3A_841, %mul3A_846 : vector<16xf32>
      %get3A_848 = arith.constant 9 : i32
      %get3A_849 = arith.index_cast %get3A_848 : i32 to index
      %get3A_850 = arith.constant 64 : index
      %get3A_851 = tpu.vector_load %arg9[%get3A_849, %get3A_850] {strides = array<i32>} : memref<10x208xf32, #tpu.memory_space<vmem>>, vector<16xf32>,
      %mul3A_852 = arith.mulf %get3A_26, %get3A_851 : vector<16xf32>
      %add3A_853 = arith.addf %add3A_847, %mul3A_852 : vector<16xf32>
      %get3A_854 = arith.constant 9 : i32
      %get3A_855 = arith.index_cast %get3A_854 : i32 to index
      %get3A_856 = arith.constant 80 : index
      %get3A_857 = tpu.vector_load %arg9[%get3A_855, %get3A_856] {strides = array<i32>} : memref<10x208xf32, #tpu.memory_space<vmem>>, vector<16xf32>,
      %mul3A_858 = arith.mulf %get3A_28, %get3A_857 : vector<16xf32>
      %add3A_859 = arith.addf %add3A_853, %mul3A_858 : vector<16xf32>
      %get3A_860 = arith.constant 9 : i32
      %get3A_861 = arith.index_cast %get3A_860 : i32 to index
      %get3A_862 = arith.constant 96 : index
      %get3A_863 = tpu.vector_load %arg9[%get3A_861, %get3A_862] {strides = array<i32>} : memref<10x208xf32, #tpu.memory_space<vmem>>, vector<16xf32>,
      %mul3A_864 = arith.mulf %get3A_30, %get3A_863 : vector<16xf32>
      %add3A_865 = arith.addf %add3A_859, %mul3A_864 : vector<16xf32>
      %get3A_866 = arith.constant 9 : i32
      %get3A_867 = arith.index_cast %get3A_866 : i32 to index
      %get3A_868 = arith.constant 112 : index
      %get3A_869 = tpu.vector_load %arg9[%get3A_867, %get3A_868] {strides = array<i32>} : memref<10x208xf32, #tpu.memory_space<vmem>>, vector<16xf32>,
      %mul3A_870 = arith.mulf %get3A_32, %get3A_869 : vector<16xf32>
      %add3A_871 = arith.addf %add3A_865, %mul3A_870 : vector<16xf32>
      %get3A_872 = arith.constant 9 : i32
      %get3A_873 = arith.index_cast %get3A_872 : i32 to index
      %get3A_874 = arith.constant 128 : index
      %get3A_875 = tpu.vector_load %arg9[%get3A_873, %get3A_874] {strides = array<i32>} : memref<10x208xf32, #tpu.memory_space<vmem>>, vector<16xf32>,
      %mul3A_876 = arith.mulf %get3A_34, %get3A_875 : vector<16xf32>
      %add3A_877 = arith.addf %add3A_871, %mul3A_876 : vector<16xf32>
      %get3A_878 = arith.constant 9 : i32
      %get3A_879 = arith.index_cast %get3A_878 : i32 to index
      %get3A_880 = arith.constant 144 : index
      %get3A_881 = tpu.vector_load %arg9[%get3A_879, %get3A_880] {strides = array<i32>} : memref<10x208xf32, #tpu.memory_space<vmem>>, vector<16xf32>,
      %mul3A_882 = arith.mulf %get3A_36, %get3A_881 : vector<16xf32>
      %add3A_883 = arith.addf %add3A_877, %mul3A_882 : vector<16xf32>
      %get3A_884 = arith.constant 9 : i32
      %get3A_885 = arith.index_cast %get3A_884 : i32 to index
      %get3A_886 = arith.constant 160 : index
      %get3A_887 = tpu.vector_load %arg9[%get3A_885, %get3A_886] {strides = array<i32>} : memref<10x208xf32, #tpu.memory_space<vmem>>, vector<16xf32>,
      %mul3A_888 = arith.mulf %get3A_38, %get3A_887 : vector<16xf32>
      %add3A_889 = arith.addf %add3A_883, %mul3A_888 : vector<16xf32>
      %get3A_890 = arith.constant 9 : i32
      %get3A_891 = arith.index_cast %get3A_890 : i32 to index
      %get3A_892 = arith.constant 176 : index
      %get3A_893 = tpu.vector_load %arg9[%get3A_891, %get3A_892] {strides = array<i32>} : memref<10x208xf32, #tpu.memory_space<vmem>>, vector<16xf32>,
      %mul3A_894 = arith.mulf %get3A_40, %get3A_893 : vector<16xf32>
      %add3A_895 = arith.addf %add3A_889, %mul3A_894 : vector<16xf32>
      %get3A_896 = arith.constant 9 : i32
      %get3A_897 = arith.index_cast %get3A_896 : i32 to index
      %get3A_898 = arith.constant 192 : index
      %get3A_899 = tpu.vector_load %arg9[%get3A_897, %get3A_898] {strides = array<i32>} : memref<10x208xf32, #tpu.memory_space<vmem>>, vector<16xf32>,
      %mul3A_900 = arith.mulf %get3A_42, %get3A_899 : vector<16xf32>
      %add3A_901 = arith.addf %add3A_895, %mul3A_900 : vector<16xf32>
      %eq3A_902 = arith.constant 9 : i32
      %eq3A_903 = vector.broadcast %eq3A_902 : i32 to vector<16xi32>
      %eq3A_904 = arith.cmpi eq, %iota3A, %eq3A_903 : vector<16xi32>
      %reduce_sum3A_905 = arith.constant true
      %reduce_sum3A_906 = vector.broadcast %reduce_sum3A_905 : i1 to vector<16xi1>
      %reduce_sum3A_907 = tpu.scan <sum>, %add3A_901 masked %reduce_sum3A_906 : vector<16xf32>, vector<16xi1> -> vector<16xf32>
      %reduce_sum3A_908 = vector.extract %reduce_sum3A_907[15] : f32 from vector<16xf32>
      %add3A_909 = vector.broadcast %reduce_sum3A_908 : f32 to vector<16xf32>
      %add3A_910 = arith.addf %select_n3A_824, %add3A_909 : vector<16xf32>
      %select_n3A_911 = arith.select %eq3A_904, %add3A_910, %select_n3A_824 : vector<16xi1>, vector<16xf32>
      %neg3A = arith.constant 0.000000e+00 : f32
      %neg3A_912 = vector.broadcast %neg3A : f32 to vector<16xf32>
      %neg3A_913 = arith.subf %neg3A_912, %select_n3A_911 : vector<16xf32>
      %exp3A = math.exp %neg3A_913 : vector<16xf32>
      %add3A_914 = arith.constant 1.000000e+00 : f32
      %add3A_915 = vector.broadcast %add3A_914 : f32 to vector<16xf32>
      %add3A_916 = arith.addf %add3A_915, %exp3A : vector<16xf32>
      %div3A = arith.constant 1.000000e+00 : f32
      %div3A_917 = vector.broadcast %div3A : f32 to vector<16xf32>
      %div3A_918 = arith.divf %div3A_917, %add3A_916 : vector<16xf32>
      %lt3A_919 = arith.constant 10 : i32
      %lt3A_920 = vector.broadcast %lt3A_919 : i32 to vector<16xi32>
      %lt3A_921 = arith.cmpi slt, %iota3A, %lt3A_920 : vector<16xi32>
      %jit3A_922 = arith.constant 0.000000e+00 : f32
      %broadcast_in_dim3A = vector.broadcast %jit3A_922 : f32 to vector<16xf32>
      %select_n3A_923 = arith.select %lt3A_921, %div3A_918, %broadcast_in_dim3A : vector<16xi1>, vector<16xf32>
      %swap3A = arith.constant 0 : index
      %swap3A_924 = tpu.vector_load %arg11[%swap3A] {strides = array<i32>} : memref<16xf32, #tpu.memory_space<vmem>>, vector<16xf32>,
      tpu.vector_store %arg11[%swap3A], %select_n3A_923 {strides = array<i32>} : memref<16xf32, #tpu.memory_space<vmem>>, vector<16xf32>,
      %add3A_925 = arith.constant 64 : i32
      %add3A_926 = arith.addi %add3A_925, %arg1 : i32
      "tpu.region"() ({
        %run_scoped3A = tpu.sem_alloc : memref<!tpu.dma_semaphore, #tpu.memory_space<semaphore_mem>>
        %dma_start3A_927 = arith.constant 0 : i32
        %dma_start3A_928 = tpu.memref_slice %arg19[%add3A_926, %dma_start3A_927] : memref<80x16xf32, #tpu.memory_space<vmem_shared>> -> memref<1x16xf32, #tpu.memory_space<vmem_shared>>
        %dma_start3A_929 = tpu.memref_squeeze %dma_start3A_928 : memref<1x16xf32, #tpu.memory_space<vmem_shared>> -> memref<16xf32, #tpu.memory_space<vmem_shared>>
        %dma_start3A_930 = arith.constant 0 : i32
        %dma_start3A_931 = tpu.memref_slice %arg19[%add3A_926, %dma_start3A_930] : memref<80x16xf32, #tpu.memory_space<vmem_shared>> -> memref<1x16xf32, #tpu.memory_space<vmem_shared>>
        %dma_start3A_932 = tpu.memref_squeeze %dma_start3A_931 : memref<1x16xf32, #tpu.memory_space<vmem_shared>> -> memref<16xf32, #tpu.memory_space<vmem_shared>>
        tpu.enqueue_dma source(%arg11 : memref<16xf32, #tpu.memory_space<vmem>>) target(%dma_start3A_932 : memref<16xf32, #tpu.memory_space<vmem_shared>>) target_semaphore(%run_scoped3A : memref<!tpu.dma_semaphore, #tpu.memory_space<semaphore_mem>>)
        %dma_wait3A_933 = arith.constant 0 : i32
        %dma_wait3A_934 = tpu.memref_slice %arg19[%add3A_926, %dma_wait3A_933] : memref<80x16xf32, #tpu.memory_space<vmem_shared>> -> memref<1x16xf32, #tpu.memory_space<vmem_shared>>
        %dma_wait3A_935 = tpu.memref_squeeze %dma_wait3A_934 : memref<1x16xf32, #tpu.memory_space<vmem_shared>> -> memref<16xf32, #tpu.memory_space<vmem_shared>>
        %dma_wait3A_936 = arith.constant 0 : i32
        %dma_wait3A_937 = tpu.memref_slice %arg19[%add3A_926, %dma_wait3A_936] : memref<80x16xf32, #tpu.memory_space<vmem_shared>> -> memref<1x16xf32, #tpu.memory_space<vmem_shared>>
        %dma_wait3A_938 = tpu.memref_squeeze %dma_wait3A_937 : memref<1x16xf32, #tpu.memory_space<vmem_shared>> -> memref<16xf32, #tpu.memory_space<vmem_shared>>
        tpu.wait_dma2 semaphore(%run_scoped3A : memref<!tpu.dma_semaphore, #tpu.memory_space<semaphore_mem>>) src(%arg11 : memref<16xf32, #tpu.memory_space<vmem>>) dst(%dma_wait3A_938 : memref<16xf32, #tpu.memory_space<vmem_shared>>)
        tpu.yield
      }) : () -> ()
    } else {
    }
    %barrier3A = arith.constant 0 : index
    tpu.barrier barrier_id(%barrier3A)
    %convert_element_type3A_5 = arith.extui %and3A : i1 to i32
    %cond3A_6 = arith.constant 0 : i32
    %cond3A_7 = arith.cmpi ne, %convert_element_type3A_5, %cond3A_6 : i32
    scf.if %cond3A_7 {
      "tpu.region"() ({
        %run_scoped3A = tpu.sem_alloc : memref<!tpu.dma_semaphore, #tpu.memory_space<semaphore_mem>>
        %dma_start3A = arith.constant 64 : i32
        %dma_start3A_850 = arith.constant 0 : i32
        %dma_start3A_851 = tpu.memref_slice %arg19[%dma_start3A, %dma_start3A_850] : memref<80x16xf32, #tpu.memory_space<vmem_shared>> -> memref<16x16xf32, #tpu.memory_space<vmem_shared>>
        %dma_start3A_852 = arith.constant 64 : i32
        %dma_start3A_853 = arith.constant 0 : i32
        %dma_start3A_854 = tpu.memref_slice %arg19[%dma_start3A_852, %dma_start3A_853] : memref<80x16xf32, #tpu.memory_space<vmem_shared>> -> memref<16x16xf32, #tpu.memory_space<vmem_shared>>
        tpu.enqueue_dma source(%dma_start3A_854 : memref<16x16xf32, #tpu.memory_space<vmem_shared>>) target(%arg12 : memref<16x16xf32, #tpu.memory_space<vmem>>) target_semaphore(%run_scoped3A : memref<!tpu.dma_semaphore, #tpu.memory_space<semaphore_mem>>)
        %dma_wait3A = arith.constant 64 : i32
        %dma_wait3A_855 = arith.constant 0 : i32
        %dma_wait3A_856 = tpu.memref_slice %arg19[%dma_wait3A, %dma_wait3A_855] : memref<80x16xf32, #tpu.memory_space<vmem_shared>> -> memref<16x16xf32, #tpu.memory_space<vmem_shared>>
        %dma_wait3A_857 = arith.constant 64 : i32
        %dma_wait3A_858 = arith.constant 0 : i32
        %dma_wait3A_859 = tpu.memref_slice %arg19[%dma_wait3A_857, %dma_wait3A_858] : memref<80x16xf32, #tpu.memory_space<vmem_shared>> -> memref<16x16xf32, #tpu.memory_space<vmem_shared>>
        tpu.wait_dma2 semaphore(%run_scoped3A : memref<!tpu.dma_semaphore, #tpu.memory_space<semaphore_mem>>) src(%dma_wait3A_859 : memref<16x16xf32, #tpu.memory_space<vmem_shared>>) dst(%arg12 : memref<16x16xf32, #tpu.memory_space<vmem>>)
        tpu.yield
      }) : () -> ()
      %broadcast_in_dim3A = arith.constant 0 : i32
      %broadcast_in_dim3A_8 = vector.broadcast %broadcast_in_dim3A : i32 to vector<16xi32>
      %gather3A = tpu.vector_load_idx %arg12[%iota3A, %broadcast_in_dim3A_8] : memref<16x16xf32, #tpu.memory_space<vmem>>[vector<16xi32>, vector<16xi32>], vector<16xf32>,
      %broadcast_in_dim3A_9 = arith.constant 1 : i32
      %broadcast_in_dim3A_10 = vector.broadcast %broadcast_in_dim3A_9 : i32 to vector<16xi32>
      %gather3A_11 = tpu.vector_load_idx %arg12[%iota3A, %broadcast_in_dim3A_10] : memref<16x16xf32, #tpu.memory_space<vmem>>[vector<16xi32>, vector<16xi32>], vector<16xf32>,
      %broadcast_in_dim3A_12 = arith.constant 2 : i32
      %broadcast_in_dim3A_13 = vector.broadcast %broadcast_in_dim3A_12 : i32 to vector<16xi32>
      %gather3A_14 = tpu.vector_load_idx %arg12[%iota3A, %broadcast_in_dim3A_13] : memref<16x16xf32, #tpu.memory_space<vmem>>[vector<16xi32>, vector<16xi32>], vector<16xf32>,
      %broadcast_in_dim3A_15 = arith.constant 3 : i32
      %broadcast_in_dim3A_16 = vector.broadcast %broadcast_in_dim3A_15 : i32 to vector<16xi32>
      %gather3A_17 = tpu.vector_load_idx %arg12[%iota3A, %broadcast_in_dim3A_16] : memref<16x16xf32, #tpu.memory_space<vmem>>[vector<16xi32>, vector<16xi32>], vector<16xf32>,
      %broadcast_in_dim3A_18 = arith.constant 4 : i32
      %broadcast_in_dim3A_19 = vector.broadcast %broadcast_in_dim3A_18 : i32 to vector<16xi32>
      %gather3A_20 = tpu.vector_load_idx %arg12[%iota3A, %broadcast_in_dim3A_19] : memref<16x16xf32, #tpu.memory_space<vmem>>[vector<16xi32>, vector<16xi32>], vector<16xf32>,
      %broadcast_in_dim3A_21 = arith.constant 5 : i32
      %broadcast_in_dim3A_22 = vector.broadcast %broadcast_in_dim3A_21 : i32 to vector<16xi32>
      %gather3A_23 = tpu.vector_load_idx %arg12[%iota3A, %broadcast_in_dim3A_22] : memref<16x16xf32, #tpu.memory_space<vmem>>[vector<16xi32>, vector<16xi32>], vector<16xf32>,
      %broadcast_in_dim3A_24 = arith.constant 6 : i32
      %broadcast_in_dim3A_25 = vector.broadcast %broadcast_in_dim3A_24 : i32 to vector<16xi32>
      %gather3A_26 = tpu.vector_load_idx %arg12[%iota3A, %broadcast_in_dim3A_25] : memref<16x16xf32, #tpu.memory_space<vmem>>[vector<16xi32>, vector<16xi32>], vector<16xf32>,
      %broadcast_in_dim3A_27 = arith.constant 7 : i32
      %broadcast_in_dim3A_28 = vector.broadcast %broadcast_in_dim3A_27 : i32 to vector<16xi32>
      %gather3A_29 = tpu.vector_load_idx %arg12[%iota3A, %broadcast_in_dim3A_28] : memref<16x16xf32, #tpu.memory_space<vmem>>[vector<16xi32>, vector<16xi32>], vector<16xf32>,
      %broadcast_in_dim3A_30 = arith.constant 8 : i32
      %broadcast_in_dim3A_31 = vector.broadcast %broadcast_in_dim3A_30 : i32 to vector<16xi32>
      %gather3A_32 = tpu.vector_load_idx %arg12[%iota3A, %broadcast_in_dim3A_31] : memref<16x16xf32, #tpu.memory_space<vmem>>[vector<16xi32>, vector<16xi32>], vector<16xf32>,
      %broadcast_in_dim3A_33 = arith.constant 9 : i32
      %broadcast_in_dim3A_34 = vector.broadcast %broadcast_in_dim3A_33 : i32 to vector<16xi32>
      %gather3A_35 = tpu.vector_load_idx %arg12[%iota3A, %broadcast_in_dim3A_34] : memref<16x16xf32, #tpu.memory_space<vmem>>[vector<16xi32>, vector<16xi32>], vector<16xf32>,
      %broadcast_in_dim3A_36 = arith.constant 0.000000e+00 : f32
      %broadcast_in_dim3A_37 = vector.broadcast %broadcast_in_dim3A_36 : f32 to vector<16xf32>
      %mul3A = arith.mulf %gather3A, %gather3A : vector<16xf32>
      %add3A = arith.addf %broadcast_in_dim3A_37, %mul3A : vector<16xf32>
      %mul3A_38 = arith.mulf %gather3A_11, %gather3A_11 : vector<16xf32>
      %add3A_39 = arith.addf %add3A, %mul3A_38 : vector<16xf32>
      %mul3A_40 = arith.mulf %gather3A_14, %gather3A_14 : vector<16xf32>
      %add3A_41 = arith.addf %add3A_39, %mul3A_40 : vector<16xf32>
      %mul3A_42 = arith.mulf %gather3A_17, %gather3A_17 : vector<16xf32>
      %add3A_43 = arith.addf %add3A_41, %mul3A_42 : vector<16xf32>
      %mul3A_44 = arith.mulf %gather3A_20, %gather3A_20 : vector<16xf32>
      %add3A_45 = arith.addf %add3A_43, %mul3A_44 : vector<16xf32>
      %mul3A_46 = arith.mulf %gather3A_23, %gather3A_23 : vector<16xf32>
      %add3A_47 = arith.addf %add3A_45, %mul3A_46 : vector<16xf32>
      %mul3A_48 = arith.mulf %gather3A_26, %gather3A_26 : vector<16xf32>
      %add3A_49 = arith.addf %add3A_47, %mul3A_48 : vector<16xf32>
      %mul3A_50 = arith.mulf %gather3A_29, %gather3A_29 : vector<16xf32>
      %add3A_51 = arith.addf %add3A_49, %mul3A_50 : vector<16xf32>
      %mul3A_52 = arith.mulf %gather3A_32, %gather3A_32 : vector<16xf32>
      %add3A_53 = arith.addf %add3A_51, %mul3A_52 : vector<16xf32>
      %mul3A_54 = arith.mulf %gather3A_35, %gather3A_35 : vector<16xf32>
      %add3A_55 = arith.addf %add3A_53, %mul3A_54 : vector<16xf32>
      %bitcast3A = vector.bitcast %add3A_55 : vector<16xf32> to vector<16xi32>
      %broadcast_in_dim3A_56 = arith.constant 1597463007 : i32
      %broadcast_in_dim3A_57 = vector.broadcast %broadcast_in_dim3A_56 : i32 to vector<16xi32>
      %broadcast_in_dim3A_58 = arith.constant 1 : i32
      %broadcast_in_dim3A_59 = vector.broadcast %broadcast_in_dim3A_58 : i32 to vector<16xi32>
      %shift_right_logical3A = arith.shrui %bitcast3A, %broadcast_in_dim3A_59 : vector<16xi32>
      %sub3A = arith.subi %broadcast_in_dim3A_57, %shift_right_logical3A : vector<16xi32>
      %bitcast3A_60 = vector.bitcast %sub3A : vector<16xi32> to vector<16xf32>
      %mul3A_61 = arith.constant 5.000000e-01 : f32
      %mul3A_62 = vector.broadcast %mul3A_61 : f32 to vector<16xf32>
      %mul3A_63 = arith.mulf %mul3A_62, %add3A_55 : vector<16xf32>
      %mul3A_64 = arith.mulf %mul3A_63, %bitcast3A_60 : vector<16xf32>
      %mul3A_65 = arith.mulf %mul3A_64, %bitcast3A_60 : vector<16xf32>
      %sub3A_66 = arith.constant 1.500000e+00 : f32
      %sub3A_67 = vector.broadcast %sub3A_66 : f32 to vector<16xf32>
      %sub3A_68 = arith.subf %sub3A_67, %mul3A_65 : vector<16xf32>
      %mul3A_69 = arith.mulf %bitcast3A_60, %sub3A_68 : vector<16xf32>
      %mul3A_70 = arith.mulf %mul3A_63, %mul3A_69 : vector<16xf32>
      %mul3A_71 = arith.mulf %mul3A_70, %mul3A_69 : vector<16xf32>
      %sub3A_72 = arith.constant 1.500000e+00 : f32
      %sub3A_73 = vector.broadcast %sub3A_72 : f32 to vector<16xf32>
      %sub3A_74 = arith.subf %sub3A_73, %mul3A_71 : vector<16xf32>
      %mul3A_75 = arith.mulf %mul3A_69, %sub3A_74 : vector<16xf32>
      %mul3A_76 = arith.mulf %mul3A_63, %mul3A_75 : vector<16xf32>
      %mul3A_77 = arith.mulf %mul3A_76, %mul3A_75 : vector<16xf32>
      %sub3A_78 = arith.constant 1.500000e+00 : f32
      %sub3A_79 = vector.broadcast %sub3A_78 : f32 to vector<16xf32>
      %sub3A_80 = arith.subf %sub3A_79, %mul3A_77 : vector<16xf32>
      %mul3A_81 = arith.mulf %mul3A_75, %sub3A_80 : vector<16xf32>
      %mul3A_82 = arith.mulf %add3A_55, %mul3A_81 : vector<16xf32>
      %max3A = arith.constant 9.99999993E-9 : f32
      %max3A_83 = vector.broadcast %max3A : f32 to vector<16xf32>
      %max3A_84 = arith.maximumf %mul3A_82, %max3A_83 : vector<16xf32>
      %div3A = arith.constant 1.000000e+00 : f32
      %div3A_85 = vector.broadcast %div3A : f32 to vector<16xf32>
      %div3A_86 = arith.divf %div3A_85, %max3A_84 : vector<16xf32>
      %broadcast_in_dim3A_87 = arith.constant 0.000000e+00 : f32
      %broadcast_in_dim3A_88 = vector.broadcast %broadcast_in_dim3A_87 : f32 to vector<16xf32>
      %broadcast_in_dim3A_89 = arith.constant 0 : i32
      %broadcast_in_dim3A_90 = vector.broadcast %broadcast_in_dim3A_89 : i32 to vector<16xi32>
      %broadcast_in_dim3A_91 = vector.shape_cast %broadcast_in_dim3A_90 : vector<16xi32> to vector<16x1xi32>
      %gather3A_92 = vector.shape_cast %broadcast_in_dim3A_91 : vector<16x1xi32> to vector<16xi32>
      %gather3A_93 = tpu.dynamic_gather %gather3A[%gather3A_92] in [0] : vector<16xf32>, vector<16xi32> -> vector<16xf32>
      %mul3A_94 = arith.mulf %gather3A_93, %gather3A : vector<16xf32>
      %broadcast_in_dim3A_95 = arith.constant 0 : i32
      %broadcast_in_dim3A_96 = vector.broadcast %broadcast_in_dim3A_95 : i32 to vector<16xi32>
      %broadcast_in_dim3A_97 = vector.shape_cast %broadcast_in_dim3A_96 : vector<16xi32> to vector<16x1xi32>
      %gather3A_98 = vector.shape_cast %broadcast_in_dim3A_97 : vector<16x1xi32> to vector<16xi32>
      %gather3A_99 = tpu.dynamic_gather %gather3A_11[%gather3A_98] in [0] : vector<16xf32>, vector<16xi32> -> vector<16xf32>
      %mul3A_100 = arith.mulf %gather3A_99, %gather3A_11 : vector<16xf32>
      %add3A_101 = arith.addf %mul3A_94, %mul3A_100 : vector<16xf32>
      %broadcast_in_dim3A_102 = arith.constant 0 : i32
      %broadcast_in_dim3A_103 = vector.broadcast %broadcast_in_dim3A_102 : i32 to vector<16xi32>
      %broadcast_in_dim3A_104 = vector.shape_cast %broadcast_in_dim3A_103 : vector<16xi32> to vector<16x1xi32>
      %gather3A_105 = vector.shape_cast %broadcast_in_dim3A_104 : vector<16x1xi32> to vector<16xi32>
      %gather3A_106 = tpu.dynamic_gather %gather3A_14[%gather3A_105] in [0] : vector<16xf32>, vector<16xi32> -> vector<16xf32>
      %mul3A_107 = arith.mulf %gather3A_106, %gather3A_14 : vector<16xf32>
      %add3A_108 = arith.addf %add3A_101, %mul3A_107 : vector<16xf32>
      %broadcast_in_dim3A_109 = arith.constant 0 : i32
      %broadcast_in_dim3A_110 = vector.broadcast %broadcast_in_dim3A_109 : i32 to vector<16xi32>
      %broadcast_in_dim3A_111 = vector.shape_cast %broadcast_in_dim3A_110 : vector<16xi32> to vector<16x1xi32>
      %gather3A_112 = vector.shape_cast %broadcast_in_dim3A_111 : vector<16x1xi32> to vector<16xi32>
      %gather3A_113 = tpu.dynamic_gather %gather3A_17[%gather3A_112] in [0] : vector<16xf32>, vector<16xi32> -> vector<16xf32>
      %mul3A_114 = arith.mulf %gather3A_113, %gather3A_17 : vector<16xf32>
      %add3A_115 = arith.addf %add3A_108, %mul3A_114 : vector<16xf32>
      %broadcast_in_dim3A_116 = arith.constant 0 : i32
      %broadcast_in_dim3A_117 = vector.broadcast %broadcast_in_dim3A_116 : i32 to vector<16xi32>
      %broadcast_in_dim3A_118 = vector.shape_cast %broadcast_in_dim3A_117 : vector<16xi32> to vector<16x1xi32>
      %gather3A_119 = vector.shape_cast %broadcast_in_dim3A_118 : vector<16x1xi32> to vector<16xi32>
      %gather3A_120 = tpu.dynamic_gather %gather3A_20[%gather3A_119] in [0] : vector<16xf32>, vector<16xi32> -> vector<16xf32>
      %mul3A_121 = arith.mulf %gather3A_120, %gather3A_20 : vector<16xf32>
      %add3A_122 = arith.addf %add3A_115, %mul3A_121 : vector<16xf32>
      %broadcast_in_dim3A_123 = arith.constant 0 : i32
      %broadcast_in_dim3A_124 = vector.broadcast %broadcast_in_dim3A_123 : i32 to vector<16xi32>
      %broadcast_in_dim3A_125 = vector.shape_cast %broadcast_in_dim3A_124 : vector<16xi32> to vector<16x1xi32>
      %gather3A_126 = vector.shape_cast %broadcast_in_dim3A_125 : vector<16x1xi32> to vector<16xi32>
      %gather3A_127 = tpu.dynamic_gather %gather3A_23[%gather3A_126] in [0] : vector<16xf32>, vector<16xi32> -> vector<16xf32>
      %mul3A_128 = arith.mulf %gather3A_127, %gather3A_23 : vector<16xf32>
      %add3A_129 = arith.addf %add3A_122, %mul3A_128 : vector<16xf32>
      %broadcast_in_dim3A_130 = arith.constant 0 : i32
      %broadcast_in_dim3A_131 = vector.broadcast %broadcast_in_dim3A_130 : i32 to vector<16xi32>
      %broadcast_in_dim3A_132 = vector.shape_cast %broadcast_in_dim3A_131 : vector<16xi32> to vector<16x1xi32>
      %gather3A_133 = vector.shape_cast %broadcast_in_dim3A_132 : vector<16x1xi32> to vector<16xi32>
      %gather3A_134 = tpu.dynamic_gather %gather3A_26[%gather3A_133] in [0] : vector<16xf32>, vector<16xi32> -> vector<16xf32>
      %mul3A_135 = arith.mulf %gather3A_134, %gather3A_26 : vector<16xf32>
      %add3A_136 = arith.addf %add3A_129, %mul3A_135 : vector<16xf32>
      %broadcast_in_dim3A_137 = arith.constant 0 : i32
      %broadcast_in_dim3A_138 = vector.broadcast %broadcast_in_dim3A_137 : i32 to vector<16xi32>
      %broadcast_in_dim3A_139 = vector.shape_cast %broadcast_in_dim3A_138 : vector<16xi32> to vector<16x1xi32>
      %gather3A_140 = vector.shape_cast %broadcast_in_dim3A_139 : vector<16x1xi32> to vector<16xi32>
      %gather3A_141 = tpu.dynamic_gather %gather3A_29[%gather3A_140] in [0] : vector<16xf32>, vector<16xi32> -> vector<16xf32>
      %mul3A_142 = arith.mulf %gather3A_141, %gather3A_29 : vector<16xf32>
      %add3A_143 = arith.addf %add3A_136, %mul3A_142 : vector<16xf32>
      %broadcast_in_dim3A_144 = arith.constant 0 : i32
      %broadcast_in_dim3A_145 = vector.broadcast %broadcast_in_dim3A_144 : i32 to vector<16xi32>
      %broadcast_in_dim3A_146 = vector.shape_cast %broadcast_in_dim3A_145 : vector<16xi32> to vector<16x1xi32>
      %gather3A_147 = vector.shape_cast %broadcast_in_dim3A_146 : vector<16x1xi32> to vector<16xi32>
      %gather3A_148 = tpu.dynamic_gather %gather3A_32[%gather3A_147] in [0] : vector<16xf32>, vector<16xi32> -> vector<16xf32>
      %mul3A_149 = arith.mulf %gather3A_148, %gather3A_32 : vector<16xf32>
      %add3A_150 = arith.addf %add3A_143, %mul3A_149 : vector<16xf32>
      %broadcast_in_dim3A_151 = arith.constant 0 : i32
      %broadcast_in_dim3A_152 = vector.broadcast %broadcast_in_dim3A_151 : i32 to vector<16xi32>
      %broadcast_in_dim3A_153 = vector.shape_cast %broadcast_in_dim3A_152 : vector<16xi32> to vector<16x1xi32>
      %gather3A_154 = vector.shape_cast %broadcast_in_dim3A_153 : vector<16x1xi32> to vector<16xi32>
      %gather3A_155 = tpu.dynamic_gather %gather3A_35[%gather3A_154] in [0] : vector<16xf32>, vector<16xi32> -> vector<16xf32>
      %mul3A_156 = arith.mulf %gather3A_155, %gather3A_35 : vector<16xf32>
      %add3A_157 = arith.addf %add3A_150, %mul3A_156 : vector<16xf32>
      %lt3A_158 = arith.constant 8 : i32
      %lt3A_159 = vector.broadcast %lt3A_158 : i32 to vector<16xi32>
      %lt3A_160 = arith.cmpi slt, %iota3A, %lt3A_159 : vector<16xi32>
      %mul3A_161 = arith.mulf %add3A_157, %div3A_86 : vector<16xf32>
      %jit3A_162 = arith.constant 0xFF800000 : f32
      %broadcast_in_dim3A_163 = vector.broadcast %jit3A_162 : f32 to vector<16xf32>
      %select_n3A_164 = arith.select %lt3A_160, %mul3A_161, %broadcast_in_dim3A_163 : vector<16xi1>, vector<16xf32>
      %reduce_max3A = arith.constant true
      %reduce_max3A_165 = vector.broadcast %reduce_max3A : i1 to vector<16xi1>
      %reduce_max3A_166 = tpu.scan <max>, %select_n3A_164 masked %reduce_max3A_165 : vector<16xf32>, vector<16xi1> -> vector<16xf32>
      %reduce_max3A_167 = vector.extract %reduce_max3A_166[15] : f32 from vector<16xf32>
      %eq3A_168 = arith.constant 0 : i32
      %eq3A_169 = vector.broadcast %eq3A_168 : i32 to vector<16xi32>
      %eq3A_170 = arith.cmpi eq, %iota3A, %eq3A_169 : vector<16xi32>
      %broadcast_in_dim3A_171 = vector.broadcast %reduce_max3A_167 : f32 to vector<16xf32>
      %select_n3A_172 = arith.select %eq3A_170, %broadcast_in_dim3A_171, %broadcast_in_dim3A_88 : vector<16xi1>, vector<16xf32>
      %broadcast_in_dim3A_173 = arith.constant 1 : i32
      %broadcast_in_dim3A_174 = vector.broadcast %broadcast_in_dim3A_173 : i32 to vector<16xi32>
      %broadcast_in_dim3A_175 = vector.shape_cast %broadcast_in_dim3A_174 : vector<16xi32> to vector<16x1xi32>
      %gather3A_176 = vector.shape_cast %broadcast_in_dim3A_175 : vector<16x1xi32> to vector<16xi32>
      %gather3A_177 = tpu.dynamic_gather %gather3A[%gather3A_176] in [0] : vector<16xf32>, vector<16xi32> -> vector<16xf32>
      %mul3A_178 = arith.mulf %gather3A_177, %gather3A : vector<16xf32>
      %broadcast_in_dim3A_179 = arith.constant 1 : i32
      %broadcast_in_dim3A_180 = vector.broadcast %broadcast_in_dim3A_179 : i32 to vector<16xi32>
      %broadcast_in_dim3A_181 = vector.shape_cast %broadcast_in_dim3A_180 : vector<16xi32> to vector<16x1xi32>
      %gather3A_182 = vector.shape_cast %broadcast_in_dim3A_181 : vector<16x1xi32> to vector<16xi32>
      %gather3A_183 = tpu.dynamic_gather %gather3A_11[%gather3A_182] in [0] : vector<16xf32>, vector<16xi32> -> vector<16xf32>
      %mul3A_184 = arith.mulf %gather3A_183, %gather3A_11 : vector<16xf32>
      %add3A_185 = arith.addf %mul3A_178, %mul3A_184 : vector<16xf32>
      %broadcast_in_dim3A_186 = arith.constant 1 : i32
      %broadcast_in_dim3A_187 = vector.broadcast %broadcast_in_dim3A_186 : i32 to vector<16xi32>
      %broadcast_in_dim3A_188 = vector.shape_cast %broadcast_in_dim3A_187 : vector<16xi32> to vector<16x1xi32>
      %gather3A_189 = vector.shape_cast %broadcast_in_dim3A_188 : vector<16x1xi32> to vector<16xi32>
      %gather3A_190 = tpu.dynamic_gather %gather3A_14[%gather3A_189] in [0] : vector<16xf32>, vector<16xi32> -> vector<16xf32>
      %mul3A_191 = arith.mulf %gather3A_190, %gather3A_14 : vector<16xf32>
      %add3A_192 = arith.addf %add3A_185, %mul3A_191 : vector<16xf32>
      %broadcast_in_dim3A_193 = arith.constant 1 : i32
      %broadcast_in_dim3A_194 = vector.broadcast %broadcast_in_dim3A_193 : i32 to vector<16xi32>
      %broadcast_in_dim3A_195 = vector.shape_cast %broadcast_in_dim3A_194 : vector<16xi32> to vector<16x1xi32>
      %gather3A_196 = vector.shape_cast %broadcast_in_dim3A_195 : vector<16x1xi32> to vector<16xi32>
      %gather3A_197 = tpu.dynamic_gather %gather3A_17[%gather3A_196] in [0] : vector<16xf32>, vector<16xi32> -> vector<16xf32>
      %mul3A_198 = arith.mulf %gather3A_197, %gather3A_17 : vector<16xf32>
      %add3A_199 = arith.addf %add3A_192, %mul3A_198 : vector<16xf32>
      %broadcast_in_dim3A_200 = arith.constant 1 : i32
      %broadcast_in_dim3A_201 = vector.broadcast %broadcast_in_dim3A_200 : i32 to vector<16xi32>
      %broadcast_in_dim3A_202 = vector.shape_cast %broadcast_in_dim3A_201 : vector<16xi32> to vector<16x1xi32>
      %gather3A_203 = vector.shape_cast %broadcast_in_dim3A_202 : vector<16x1xi32> to vector<16xi32>
      %gather3A_204 = tpu.dynamic_gather %gather3A_20[%gather3A_203] in [0] : vector<16xf32>, vector<16xi32> -> vector<16xf32>
      %mul3A_205 = arith.mulf %gather3A_204, %gather3A_20 : vector<16xf32>
      %add3A_206 = arith.addf %add3A_199, %mul3A_205 : vector<16xf32>
      %broadcast_in_dim3A_207 = arith.constant 1 : i32
      %broadcast_in_dim3A_208 = vector.broadcast %broadcast_in_dim3A_207 : i32 to vector<16xi32>
      %broadcast_in_dim3A_209 = vector.shape_cast %broadcast_in_dim3A_208 : vector<16xi32> to vector<16x1xi32>
      %gather3A_210 = vector.shape_cast %broadcast_in_dim3A_209 : vector<16x1xi32> to vector<16xi32>
      %gather3A_211 = tpu.dynamic_gather %gather3A_23[%gather3A_210] in [0] : vector<16xf32>, vector<16xi32> -> vector<16xf32>
      %mul3A_212 = arith.mulf %gather3A_211, %gather3A_23 : vector<16xf32>
      %add3A_213 = arith.addf %add3A_206, %mul3A_212 : vector<16xf32>
      %broadcast_in_dim3A_214 = arith.constant 1 : i32
      %broadcast_in_dim3A_215 = vector.broadcast %broadcast_in_dim3A_214 : i32 to vector<16xi32>
      %broadcast_in_dim3A_216 = vector.shape_cast %broadcast_in_dim3A_215 : vector<16xi32> to vector<16x1xi32>
      %gather3A_217 = vector.shape_cast %broadcast_in_dim3A_216 : vector<16x1xi32> to vector<16xi32>
      %gather3A_218 = tpu.dynamic_gather %gather3A_26[%gather3A_217] in [0] : vector<16xf32>, vector<16xi32> -> vector<16xf32>
      %mul3A_219 = arith.mulf %gather3A_218, %gather3A_26 : vector<16xf32>
      %add3A_220 = arith.addf %add3A_213, %mul3A_219 : vector<16xf32>
      %broadcast_in_dim3A_221 = arith.constant 1 : i32
      %broadcast_in_dim3A_222 = vector.broadcast %broadcast_in_dim3A_221 : i32 to vector<16xi32>
      %broadcast_in_dim3A_223 = vector.shape_cast %broadcast_in_dim3A_222 : vector<16xi32> to vector<16x1xi32>
      %gather3A_224 = vector.shape_cast %broadcast_in_dim3A_223 : vector<16x1xi32> to vector<16xi32>
      %gather3A_225 = tpu.dynamic_gather %gather3A_29[%gather3A_224] in [0] : vector<16xf32>, vector<16xi32> -> vector<16xf32>
      %mul3A_226 = arith.mulf %gather3A_225, %gather3A_29 : vector<16xf32>
      %add3A_227 = arith.addf %add3A_220, %mul3A_226 : vector<16xf32>
      %broadcast_in_dim3A_228 = arith.constant 1 : i32
      %broadcast_in_dim3A_229 = vector.broadcast %broadcast_in_dim3A_228 : i32 to vector<16xi32>
      %broadcast_in_dim3A_230 = vector.shape_cast %broadcast_in_dim3A_229 : vector<16xi32> to vector<16x1xi32>
      %gather3A_231 = vector.shape_cast %broadcast_in_dim3A_230 : vector<16x1xi32> to vector<16xi32>
      %gather3A_232 = tpu.dynamic_gather %gather3A_32[%gather3A_231] in [0] : vector<16xf32>, vector<16xi32> -> vector<16xf32>
      %mul3A_233 = arith.mulf %gather3A_232, %gather3A_32 : vector<16xf32>
      %add3A_234 = arith.addf %add3A_227, %mul3A_233 : vector<16xf32>
      %broadcast_in_dim3A_235 = arith.constant 1 : i32
      %broadcast_in_dim3A_236 = vector.broadcast %broadcast_in_dim3A_235 : i32 to vector<16xi32>
      %broadcast_in_dim3A_237 = vector.shape_cast %broadcast_in_dim3A_236 : vector<16xi32> to vector<16x1xi32>
      %gather3A_238 = vector.shape_cast %broadcast_in_dim3A_237 : vector<16x1xi32> to vector<16xi32>
      %gather3A_239 = tpu.dynamic_gather %gather3A_35[%gather3A_238] in [0] : vector<16xf32>, vector<16xi32> -> vector<16xf32>
      %mul3A_240 = arith.mulf %gather3A_239, %gather3A_35 : vector<16xf32>
      %add3A_241 = arith.addf %add3A_234, %mul3A_240 : vector<16xf32>
      %lt3A_242 = arith.constant 8 : i32
      %lt3A_243 = vector.broadcast %lt3A_242 : i32 to vector<16xi32>
      %lt3A_244 = arith.cmpi slt, %iota3A, %lt3A_243 : vector<16xi32>
      %mul3A_245 = arith.mulf %add3A_241, %div3A_86 : vector<16xf32>
      %jit3A_246 = arith.constant 0xFF800000 : f32
      %broadcast_in_dim3A_247 = vector.broadcast %jit3A_246 : f32 to vector<16xf32>
      %select_n3A_248 = arith.select %lt3A_244, %mul3A_245, %broadcast_in_dim3A_247 : vector<16xi1>, vector<16xf32>
      %reduce_max3A_249 = arith.constant true
      %reduce_max3A_250 = vector.broadcast %reduce_max3A_249 : i1 to vector<16xi1>
      %reduce_max3A_251 = tpu.scan <max>, %select_n3A_248 masked %reduce_max3A_250 : vector<16xf32>, vector<16xi1> -> vector<16xf32>
      %reduce_max3A_252 = vector.extract %reduce_max3A_251[15] : f32 from vector<16xf32>
      %eq3A_253 = arith.constant 1 : i32
      %eq3A_254 = vector.broadcast %eq3A_253 : i32 to vector<16xi32>
      %eq3A_255 = arith.cmpi eq, %iota3A, %eq3A_254 : vector<16xi32>
      %broadcast_in_dim3A_256 = vector.broadcast %reduce_max3A_252 : f32 to vector<16xf32>
      %select_n3A_257 = arith.select %eq3A_255, %broadcast_in_dim3A_256, %select_n3A_172 : vector<16xi1>, vector<16xf32>
      %broadcast_in_dim3A_258 = arith.constant 2 : i32
      %broadcast_in_dim3A_259 = vector.broadcast %broadcast_in_dim3A_258 : i32 to vector<16xi32>
      %broadcast_in_dim3A_260 = vector.shape_cast %broadcast_in_dim3A_259 : vector<16xi32> to vector<16x1xi32>
      %gather3A_261 = vector.shape_cast %broadcast_in_dim3A_260 : vector<16x1xi32> to vector<16xi32>
      %gather3A_262 = tpu.dynamic_gather %gather3A[%gather3A_261] in [0] : vector<16xf32>, vector<16xi32> -> vector<16xf32>
      %mul3A_263 = arith.mulf %gather3A_262, %gather3A : vector<16xf32>
      %broadcast_in_dim3A_264 = arith.constant 2 : i32
      %broadcast_in_dim3A_265 = vector.broadcast %broadcast_in_dim3A_264 : i32 to vector<16xi32>
      %broadcast_in_dim3A_266 = vector.shape_cast %broadcast_in_dim3A_265 : vector<16xi32> to vector<16x1xi32>
      %gather3A_267 = vector.shape_cast %broadcast_in_dim3A_266 : vector<16x1xi32> to vector<16xi32>
      %gather3A_268 = tpu.dynamic_gather %gather3A_11[%gather3A_267] in [0] : vector<16xf32>, vector<16xi32> -> vector<16xf32>
      %mul3A_269 = arith.mulf %gather3A_268, %gather3A_11 : vector<16xf32>
      %add3A_270 = arith.addf %mul3A_263, %mul3A_269 : vector<16xf32>
      %broadcast_in_dim3A_271 = arith.constant 2 : i32
      %broadcast_in_dim3A_272 = vector.broadcast %broadcast_in_dim3A_271 : i32 to vector<16xi32>
      %broadcast_in_dim3A_273 = vector.shape_cast %broadcast_in_dim3A_272 : vector<16xi32> to vector<16x1xi32>
      %gather3A_274 = vector.shape_cast %broadcast_in_dim3A_273 : vector<16x1xi32> to vector<16xi32>
      %gather3A_275 = tpu.dynamic_gather %gather3A_14[%gather3A_274] in [0] : vector<16xf32>, vector<16xi32> -> vector<16xf32>
      %mul3A_276 = arith.mulf %gather3A_275, %gather3A_14 : vector<16xf32>
      %add3A_277 = arith.addf %add3A_270, %mul3A_276 : vector<16xf32>
      %broadcast_in_dim3A_278 = arith.constant 2 : i32
      %broadcast_in_dim3A_279 = vector.broadcast %broadcast_in_dim3A_278 : i32 to vector<16xi32>
      %broadcast_in_dim3A_280 = vector.shape_cast %broadcast_in_dim3A_279 : vector<16xi32> to vector<16x1xi32>
      %gather3A_281 = vector.shape_cast %broadcast_in_dim3A_280 : vector<16x1xi32> to vector<16xi32>
      %gather3A_282 = tpu.dynamic_gather %gather3A_17[%gather3A_281] in [0] : vector<16xf32>, vector<16xi32> -> vector<16xf32>
      %mul3A_283 = arith.mulf %gather3A_282, %gather3A_17 : vector<16xf32>
      %add3A_284 = arith.addf %add3A_277, %mul3A_283 : vector<16xf32>
      %broadcast_in_dim3A_285 = arith.constant 2 : i32
      %broadcast_in_dim3A_286 = vector.broadcast %broadcast_in_dim3A_285 : i32 to vector<16xi32>
      %broadcast_in_dim3A_287 = vector.shape_cast %broadcast_in_dim3A_286 : vector<16xi32> to vector<16x1xi32>
      %gather3A_288 = vector.shape_cast %broadcast_in_dim3A_287 : vector<16x1xi32> to vector<16xi32>
      %gather3A_289 = tpu.dynamic_gather %gather3A_20[%gather3A_288] in [0] : vector<16xf32>, vector<16xi32> -> vector<16xf32>
      %mul3A_290 = arith.mulf %gather3A_289, %gather3A_20 : vector<16xf32>
      %add3A_291 = arith.addf %add3A_284, %mul3A_290 : vector<16xf32>
      %broadcast_in_dim3A_292 = arith.constant 2 : i32
      %broadcast_in_dim3A_293 = vector.broadcast %broadcast_in_dim3A_292 : i32 to vector<16xi32>
      %broadcast_in_dim3A_294 = vector.shape_cast %broadcast_in_dim3A_293 : vector<16xi32> to vector<16x1xi32>
      %gather3A_295 = vector.shape_cast %broadcast_in_dim3A_294 : vector<16x1xi32> to vector<16xi32>
      %gather3A_296 = tpu.dynamic_gather %gather3A_23[%gather3A_295] in [0] : vector<16xf32>, vector<16xi32> -> vector<16xf32>
      %mul3A_297 = arith.mulf %gather3A_296, %gather3A_23 : vector<16xf32>
      %add3A_298 = arith.addf %add3A_291, %mul3A_297 : vector<16xf32>
      %broadcast_in_dim3A_299 = arith.constant 2 : i32
      %broadcast_in_dim3A_300 = vector.broadcast %broadcast_in_dim3A_299 : i32 to vector<16xi32>
      %broadcast_in_dim3A_301 = vector.shape_cast %broadcast_in_dim3A_300 : vector<16xi32> to vector<16x1xi32>
      %gather3A_302 = vector.shape_cast %broadcast_in_dim3A_301 : vector<16x1xi32> to vector<16xi32>
      %gather3A_303 = tpu.dynamic_gather %gather3A_26[%gather3A_302] in [0] : vector<16xf32>, vector<16xi32> -> vector<16xf32>
      %mul3A_304 = arith.mulf %gather3A_303, %gather3A_26 : vector<16xf32>
      %add3A_305 = arith.addf %add3A_298, %mul3A_304 : vector<16xf32>
      %broadcast_in_dim3A_306 = arith.constant 2 : i32
      %broadcast_in_dim3A_307 = vector.broadcast %broadcast_in_dim3A_306 : i32 to vector<16xi32>
      %broadcast_in_dim3A_308 = vector.shape_cast %broadcast_in_dim3A_307 : vector<16xi32> to vector<16x1xi32>
      %gather3A_309 = vector.shape_cast %broadcast_in_dim3A_308 : vector<16x1xi32> to vector<16xi32>
      %gather3A_310 = tpu.dynamic_gather %gather3A_29[%gather3A_309] in [0] : vector<16xf32>, vector<16xi32> -> vector<16xf32>
      %mul3A_311 = arith.mulf %gather3A_310, %gather3A_29 : vector<16xf32>
      %add3A_312 = arith.addf %add3A_305, %mul3A_311 : vector<16xf32>
      %broadcast_in_dim3A_313 = arith.constant 2 : i32
      %broadcast_in_dim3A_314 = vector.broadcast %broadcast_in_dim3A_313 : i32 to vector<16xi32>
      %broadcast_in_dim3A_315 = vector.shape_cast %broadcast_in_dim3A_314 : vector<16xi32> to vector<16x1xi32>
      %gather3A_316 = vector.shape_cast %broadcast_in_dim3A_315 : vector<16x1xi32> to vector<16xi32>
      %gather3A_317 = tpu.dynamic_gather %gather3A_32[%gather3A_316] in [0] : vector<16xf32>, vector<16xi32> -> vector<16xf32>
      %mul3A_318 = arith.mulf %gather3A_317, %gather3A_32 : vector<16xf32>
      %add3A_319 = arith.addf %add3A_312, %mul3A_318 : vector<16xf32>
      %broadcast_in_dim3A_320 = arith.constant 2 : i32
      %broadcast_in_dim3A_321 = vector.broadcast %broadcast_in_dim3A_320 : i32 to vector<16xi32>
      %broadcast_in_dim3A_322 = vector.shape_cast %broadcast_in_dim3A_321 : vector<16xi32> to vector<16x1xi32>
      %gather3A_323 = vector.shape_cast %broadcast_in_dim3A_322 : vector<16x1xi32> to vector<16xi32>
      %gather3A_324 = tpu.dynamic_gather %gather3A_35[%gather3A_323] in [0] : vector<16xf32>, vector<16xi32> -> vector<16xf32>
      %mul3A_325 = arith.mulf %gather3A_324, %gather3A_35 : vector<16xf32>
      %add3A_326 = arith.addf %add3A_319, %mul3A_325 : vector<16xf32>
      %lt3A_327 = arith.constant 8 : i32
      %lt3A_328 = vector.broadcast %lt3A_327 : i32 to vector<16xi32>
      %lt3A_329 = arith.cmpi slt, %iota3A, %lt3A_328 : vector<16xi32>
      %mul3A_330 = arith.mulf %add3A_326, %div3A_86 : vector<16xf32>
      %jit3A_331 = arith.constant 0xFF800000 : f32
      %broadcast_in_dim3A_332 = vector.broadcast %jit3A_331 : f32 to vector<16xf32>
      %select_n3A_333 = arith.select %lt3A_329, %mul3A_330, %broadcast_in_dim3A_332 : vector<16xi1>, vector<16xf32>
      %reduce_max3A_334 = arith.constant true
      %reduce_max3A_335 = vector.broadcast %reduce_max3A_334 : i1 to vector<16xi1>
      %reduce_max3A_336 = tpu.scan <max>, %select_n3A_333 masked %reduce_max3A_335 : vector<16xf32>, vector<16xi1> -> vector<16xf32>
      %reduce_max3A_337 = vector.extract %reduce_max3A_336[15] : f32 from vector<16xf32>
      %eq3A_338 = arith.constant 2 : i32
      %eq3A_339 = vector.broadcast %eq3A_338 : i32 to vector<16xi32>
      %eq3A_340 = arith.cmpi eq, %iota3A, %eq3A_339 : vector<16xi32>
      %broadcast_in_dim3A_341 = vector.broadcast %reduce_max3A_337 : f32 to vector<16xf32>
      %select_n3A_342 = arith.select %eq3A_340, %broadcast_in_dim3A_341, %select_n3A_257 : vector<16xi1>, vector<16xf32>
      %broadcast_in_dim3A_343 = arith.constant 3 : i32
      %broadcast_in_dim3A_344 = vector.broadcast %broadcast_in_dim3A_343 : i32 to vector<16xi32>
      %broadcast_in_dim3A_345 = vector.shape_cast %broadcast_in_dim3A_344 : vector<16xi32> to vector<16x1xi32>
      %gather3A_346 = vector.shape_cast %broadcast_in_dim3A_345 : vector<16x1xi32> to vector<16xi32>
      %gather3A_347 = tpu.dynamic_gather %gather3A[%gather3A_346] in [0] : vector<16xf32>, vector<16xi32> -> vector<16xf32>
      %mul3A_348 = arith.mulf %gather3A_347, %gather3A : vector<16xf32>
      %broadcast_in_dim3A_349 = arith.constant 3 : i32
      %broadcast_in_dim3A_350 = vector.broadcast %broadcast_in_dim3A_349 : i32 to vector<16xi32>
      %broadcast_in_dim3A_351 = vector.shape_cast %broadcast_in_dim3A_350 : vector<16xi32> to vector<16x1xi32>
      %gather3A_352 = vector.shape_cast %broadcast_in_dim3A_351 : vector<16x1xi32> to vector<16xi32>
      %gather3A_353 = tpu.dynamic_gather %gather3A_11[%gather3A_352] in [0] : vector<16xf32>, vector<16xi32> -> vector<16xf32>
      %mul3A_354 = arith.mulf %gather3A_353, %gather3A_11 : vector<16xf32>
      %add3A_355 = arith.addf %mul3A_348, %mul3A_354 : vector<16xf32>
      %broadcast_in_dim3A_356 = arith.constant 3 : i32
      %broadcast_in_dim3A_357 = vector.broadcast %broadcast_in_dim3A_356 : i32 to vector<16xi32>
      %broadcast_in_dim3A_358 = vector.shape_cast %broadcast_in_dim3A_357 : vector<16xi32> to vector<16x1xi32>
      %gather3A_359 = vector.shape_cast %broadcast_in_dim3A_358 : vector<16x1xi32> to vector<16xi32>
      %gather3A_360 = tpu.dynamic_gather %gather3A_14[%gather3A_359] in [0] : vector<16xf32>, vector<16xi32> -> vector<16xf32>
      %mul3A_361 = arith.mulf %gather3A_360, %gather3A_14 : vector<16xf32>
      %add3A_362 = arith.addf %add3A_355, %mul3A_361 : vector<16xf32>
      %broadcast_in_dim3A_363 = arith.constant 3 : i32
      %broadcast_in_dim3A_364 = vector.broadcast %broadcast_in_dim3A_363 : i32 to vector<16xi32>
      %broadcast_in_dim3A_365 = vector.shape_cast %broadcast_in_dim3A_364 : vector<16xi32> to vector<16x1xi32>
      %gather3A_366 = vector.shape_cast %broadcast_in_dim3A_365 : vector<16x1xi32> to vector<16xi32>
      %gather3A_367 = tpu.dynamic_gather %gather3A_17[%gather3A_366] in [0] : vector<16xf32>, vector<16xi32> -> vector<16xf32>
      %mul3A_368 = arith.mulf %gather3A_367, %gather3A_17 : vector<16xf32>
      %add3A_369 = arith.addf %add3A_362, %mul3A_368 : vector<16xf32>
      %broadcast_in_dim3A_370 = arith.constant 3 : i32
      %broadcast_in_dim3A_371 = vector.broadcast %broadcast_in_dim3A_370 : i32 to vector<16xi32>
      %broadcast_in_dim3A_372 = vector.shape_cast %broadcast_in_dim3A_371 : vector<16xi32> to vector<16x1xi32>
      %gather3A_373 = vector.shape_cast %broadcast_in_dim3A_372 : vector<16x1xi32> to vector<16xi32>
      %gather3A_374 = tpu.dynamic_gather %gather3A_20[%gather3A_373] in [0] : vector<16xf32>, vector<16xi32> -> vector<16xf32>
      %mul3A_375 = arith.mulf %gather3A_374, %gather3A_20 : vector<16xf32>
      %add3A_376 = arith.addf %add3A_369, %mul3A_375 : vector<16xf32>
      %broadcast_in_dim3A_377 = arith.constant 3 : i32
      %broadcast_in_dim3A_378 = vector.broadcast %broadcast_in_dim3A_377 : i32 to vector<16xi32>
      %broadcast_in_dim3A_379 = vector.shape_cast %broadcast_in_dim3A_378 : vector<16xi32> to vector<16x1xi32>
      %gather3A_380 = vector.shape_cast %broadcast_in_dim3A_379 : vector<16x1xi32> to vector<16xi32>
      %gather3A_381 = tpu.dynamic_gather %gather3A_23[%gather3A_380] in [0] : vector<16xf32>, vector<16xi32> -> vector<16xf32>
      %mul3A_382 = arith.mulf %gather3A_381, %gather3A_23 : vector<16xf32>
      %add3A_383 = arith.addf %add3A_376, %mul3A_382 : vector<16xf32>
      %broadcast_in_dim3A_384 = arith.constant 3 : i32
      %broadcast_in_dim3A_385 = vector.broadcast %broadcast_in_dim3A_384 : i32 to vector<16xi32>
      %broadcast_in_dim3A_386 = vector.shape_cast %broadcast_in_dim3A_385 : vector<16xi32> to vector<16x1xi32>
      %gather3A_387 = vector.shape_cast %broadcast_in_dim3A_386 : vector<16x1xi32> to vector<16xi32>
      %gather3A_388 = tpu.dynamic_gather %gather3A_26[%gather3A_387] in [0] : vector<16xf32>, vector<16xi32> -> vector<16xf32>
      %mul3A_389 = arith.mulf %gather3A_388, %gather3A_26 : vector<16xf32>
      %add3A_390 = arith.addf %add3A_383, %mul3A_389 : vector<16xf32>
      %broadcast_in_dim3A_391 = arith.constant 3 : i32
      %broadcast_in_dim3A_392 = vector.broadcast %broadcast_in_dim3A_391 : i32 to vector<16xi32>
      %broadcast_in_dim3A_393 = vector.shape_cast %broadcast_in_dim3A_392 : vector<16xi32> to vector<16x1xi32>
      %gather3A_394 = vector.shape_cast %broadcast_in_dim3A_393 : vector<16x1xi32> to vector<16xi32>
      %gather3A_395 = tpu.dynamic_gather %gather3A_29[%gather3A_394] in [0] : vector<16xf32>, vector<16xi32> -> vector<16xf32>
      %mul3A_396 = arith.mulf %gather3A_395, %gather3A_29 : vector<16xf32>
      %add3A_397 = arith.addf %add3A_390, %mul3A_396 : vector<16xf32>
      %broadcast_in_dim3A_398 = arith.constant 3 : i32
      %broadcast_in_dim3A_399 = vector.broadcast %broadcast_in_dim3A_398 : i32 to vector<16xi32>
      %broadcast_in_dim3A_400 = vector.shape_cast %broadcast_in_dim3A_399 : vector<16xi32> to vector<16x1xi32>
      %gather3A_401 = vector.shape_cast %broadcast_in_dim3A_400 : vector<16x1xi32> to vector<16xi32>
      %gather3A_402 = tpu.dynamic_gather %gather3A_32[%gather3A_401] in [0] : vector<16xf32>, vector<16xi32> -> vector<16xf32>
      %mul3A_403 = arith.mulf %gather3A_402, %gather3A_32 : vector<16xf32>
      %add3A_404 = arith.addf %add3A_397, %mul3A_403 : vector<16xf32>
      %broadcast_in_dim3A_405 = arith.constant 3 : i32
      %broadcast_in_dim3A_406 = vector.broadcast %broadcast_in_dim3A_405 : i32 to vector<16xi32>
      %broadcast_in_dim3A_407 = vector.shape_cast %broadcast_in_dim3A_406 : vector<16xi32> to vector<16x1xi32>
      %gather3A_408 = vector.shape_cast %broadcast_in_dim3A_407 : vector<16x1xi32> to vector<16xi32>
      %gather3A_409 = tpu.dynamic_gather %gather3A_35[%gather3A_408] in [0] : vector<16xf32>, vector<16xi32> -> vector<16xf32>
      %mul3A_410 = arith.mulf %gather3A_409, %gather3A_35 : vector<16xf32>
      %add3A_411 = arith.addf %add3A_404, %mul3A_410 : vector<16xf32>
      %lt3A_412 = arith.constant 8 : i32
      %lt3A_413 = vector.broadcast %lt3A_412 : i32 to vector<16xi32>
      %lt3A_414 = arith.cmpi slt, %iota3A, %lt3A_413 : vector<16xi32>
      %mul3A_415 = arith.mulf %add3A_411, %div3A_86 : vector<16xf32>
      %jit3A_416 = arith.constant 0xFF800000 : f32
      %broadcast_in_dim3A_417 = vector.broadcast %jit3A_416 : f32 to vector<16xf32>
      %select_n3A_418 = arith.select %lt3A_414, %mul3A_415, %broadcast_in_dim3A_417 : vector<16xi1>, vector<16xf32>
      %reduce_max3A_419 = arith.constant true
      %reduce_max3A_420 = vector.broadcast %reduce_max3A_419 : i1 to vector<16xi1>
      %reduce_max3A_421 = tpu.scan <max>, %select_n3A_418 masked %reduce_max3A_420 : vector<16xf32>, vector<16xi1> -> vector<16xf32>
      %reduce_max3A_422 = vector.extract %reduce_max3A_421[15] : f32 from vector<16xf32>
      %eq3A_423 = arith.constant 3 : i32
      %eq3A_424 = vector.broadcast %eq3A_423 : i32 to vector<16xi32>
      %eq3A_425 = arith.cmpi eq, %iota3A, %eq3A_424 : vector<16xi32>
      %broadcast_in_dim3A_426 = vector.broadcast %reduce_max3A_422 : f32 to vector<16xf32>
      %select_n3A_427 = arith.select %eq3A_425, %broadcast_in_dim3A_426, %select_n3A_342 : vector<16xi1>, vector<16xf32>
      %broadcast_in_dim3A_428 = arith.constant 4 : i32
      %broadcast_in_dim3A_429 = vector.broadcast %broadcast_in_dim3A_428 : i32 to vector<16xi32>
      %broadcast_in_dim3A_430 = vector.shape_cast %broadcast_in_dim3A_429 : vector<16xi32> to vector<16x1xi32>
      %gather3A_431 = vector.shape_cast %broadcast_in_dim3A_430 : vector<16x1xi32> to vector<16xi32>
      %gather3A_432 = tpu.dynamic_gather %gather3A[%gather3A_431] in [0] : vector<16xf32>, vector<16xi32> -> vector<16xf32>
      %mul3A_433 = arith.mulf %gather3A_432, %gather3A : vector<16xf32>
      %broadcast_in_dim3A_434 = arith.constant 4 : i32
      %broadcast_in_dim3A_435 = vector.broadcast %broadcast_in_dim3A_434 : i32 to vector<16xi32>
      %broadcast_in_dim3A_436 = vector.shape_cast %broadcast_in_dim3A_435 : vector<16xi32> to vector<16x1xi32>
      %gather3A_437 = vector.shape_cast %broadcast_in_dim3A_436 : vector<16x1xi32> to vector<16xi32>
      %gather3A_438 = tpu.dynamic_gather %gather3A_11[%gather3A_437] in [0] : vector<16xf32>, vector<16xi32> -> vector<16xf32>
      %mul3A_439 = arith.mulf %gather3A_438, %gather3A_11 : vector<16xf32>
      %add3A_440 = arith.addf %mul3A_433, %mul3A_439 : vector<16xf32>
      %broadcast_in_dim3A_441 = arith.constant 4 : i32
      %broadcast_in_dim3A_442 = vector.broadcast %broadcast_in_dim3A_441 : i32 to vector<16xi32>
      %broadcast_in_dim3A_443 = vector.shape_cast %broadcast_in_dim3A_442 : vector<16xi32> to vector<16x1xi32>
      %gather3A_444 = vector.shape_cast %broadcast_in_dim3A_443 : vector<16x1xi32> to vector<16xi32>
      %gather3A_445 = tpu.dynamic_gather %gather3A_14[%gather3A_444] in [0] : vector<16xf32>, vector<16xi32> -> vector<16xf32>
      %mul3A_446 = arith.mulf %gather3A_445, %gather3A_14 : vector<16xf32>
      %add3A_447 = arith.addf %add3A_440, %mul3A_446 : vector<16xf32>
      %broadcast_in_dim3A_448 = arith.constant 4 : i32
      %broadcast_in_dim3A_449 = vector.broadcast %broadcast_in_dim3A_448 : i32 to vector<16xi32>
      %broadcast_in_dim3A_450 = vector.shape_cast %broadcast_in_dim3A_449 : vector<16xi32> to vector<16x1xi32>
      %gather3A_451 = vector.shape_cast %broadcast_in_dim3A_450 : vector<16x1xi32> to vector<16xi32>
      %gather3A_452 = tpu.dynamic_gather %gather3A_17[%gather3A_451] in [0] : vector<16xf32>, vector<16xi32> -> vector<16xf32>
      %mul3A_453 = arith.mulf %gather3A_452, %gather3A_17 : vector<16xf32>
      %add3A_454 = arith.addf %add3A_447, %mul3A_453 : vector<16xf32>
      %broadcast_in_dim3A_455 = arith.constant 4 : i32
      %broadcast_in_dim3A_456 = vector.broadcast %broadcast_in_dim3A_455 : i32 to vector<16xi32>
      %broadcast_in_dim3A_457 = vector.shape_cast %broadcast_in_dim3A_456 : vector<16xi32> to vector<16x1xi32>
      %gather3A_458 = vector.shape_cast %broadcast_in_dim3A_457 : vector<16x1xi32> to vector<16xi32>
      %gather3A_459 = tpu.dynamic_gather %gather3A_20[%gather3A_458] in [0] : vector<16xf32>, vector<16xi32> -> vector<16xf32>
      %mul3A_460 = arith.mulf %gather3A_459, %gather3A_20 : vector<16xf32>
      %add3A_461 = arith.addf %add3A_454, %mul3A_460 : vector<16xf32>
      %broadcast_in_dim3A_462 = arith.constant 4 : i32
      %broadcast_in_dim3A_463 = vector.broadcast %broadcast_in_dim3A_462 : i32 to vector<16xi32>
      %broadcast_in_dim3A_464 = vector.shape_cast %broadcast_in_dim3A_463 : vector<16xi32> to vector<16x1xi32>
      %gather3A_465 = vector.shape_cast %broadcast_in_dim3A_464 : vector<16x1xi32> to vector<16xi32>
      %gather3A_466 = tpu.dynamic_gather %gather3A_23[%gather3A_465] in [0] : vector<16xf32>, vector<16xi32> -> vector<16xf32>
      %mul3A_467 = arith.mulf %gather3A_466, %gather3A_23 : vector<16xf32>
      %add3A_468 = arith.addf %add3A_461, %mul3A_467 : vector<16xf32>
      %broadcast_in_dim3A_469 = arith.constant 4 : i32
      %broadcast_in_dim3A_470 = vector.broadcast %broadcast_in_dim3A_469 : i32 to vector<16xi32>
      %broadcast_in_dim3A_471 = vector.shape_cast %broadcast_in_dim3A_470 : vector<16xi32> to vector<16x1xi32>
      %gather3A_472 = vector.shape_cast %broadcast_in_dim3A_471 : vector<16x1xi32> to vector<16xi32>
      %gather3A_473 = tpu.dynamic_gather %gather3A_26[%gather3A_472] in [0] : vector<16xf32>, vector<16xi32> -> vector<16xf32>
      %mul3A_474 = arith.mulf %gather3A_473, %gather3A_26 : vector<16xf32>
      %add3A_475 = arith.addf %add3A_468, %mul3A_474 : vector<16xf32>
      %broadcast_in_dim3A_476 = arith.constant 4 : i32
      %broadcast_in_dim3A_477 = vector.broadcast %broadcast_in_dim3A_476 : i32 to vector<16xi32>
      %broadcast_in_dim3A_478 = vector.shape_cast %broadcast_in_dim3A_477 : vector<16xi32> to vector<16x1xi32>
      %gather3A_479 = vector.shape_cast %broadcast_in_dim3A_478 : vector<16x1xi32> to vector<16xi32>
      %gather3A_480 = tpu.dynamic_gather %gather3A_29[%gather3A_479] in [0] : vector<16xf32>, vector<16xi32> -> vector<16xf32>
      %mul3A_481 = arith.mulf %gather3A_480, %gather3A_29 : vector<16xf32>
      %add3A_482 = arith.addf %add3A_475, %mul3A_481 : vector<16xf32>
      %broadcast_in_dim3A_483 = arith.constant 4 : i32
      %broadcast_in_dim3A_484 = vector.broadcast %broadcast_in_dim3A_483 : i32 to vector<16xi32>
      %broadcast_in_dim3A_485 = vector.shape_cast %broadcast_in_dim3A_484 : vector<16xi32> to vector<16x1xi32>
      %gather3A_486 = vector.shape_cast %broadcast_in_dim3A_485 : vector<16x1xi32> to vector<16xi32>
      %gather3A_487 = tpu.dynamic_gather %gather3A_32[%gather3A_486] in [0] : vector<16xf32>, vector<16xi32> -> vector<16xf32>
      %mul3A_488 = arith.mulf %gather3A_487, %gather3A_32 : vector<16xf32>
      %add3A_489 = arith.addf %add3A_482, %mul3A_488 : vector<16xf32>
      %broadcast_in_dim3A_490 = arith.constant 4 : i32
      %broadcast_in_dim3A_491 = vector.broadcast %broadcast_in_dim3A_490 : i32 to vector<16xi32>
      %broadcast_in_dim3A_492 = vector.shape_cast %broadcast_in_dim3A_491 : vector<16xi32> to vector<16x1xi32>
      %gather3A_493 = vector.shape_cast %broadcast_in_dim3A_492 : vector<16x1xi32> to vector<16xi32>
      %gather3A_494 = tpu.dynamic_gather %gather3A_35[%gather3A_493] in [0] : vector<16xf32>, vector<16xi32> -> vector<16xf32>
      %mul3A_495 = arith.mulf %gather3A_494, %gather3A_35 : vector<16xf32>
      %add3A_496 = arith.addf %add3A_489, %mul3A_495 : vector<16xf32>
      %lt3A_497 = arith.constant 8 : i32
      %lt3A_498 = vector.broadcast %lt3A_497 : i32 to vector<16xi32>
      %lt3A_499 = arith.cmpi slt, %iota3A, %lt3A_498 : vector<16xi32>
      %mul3A_500 = arith.mulf %add3A_496, %div3A_86 : vector<16xf32>
      %jit3A_501 = arith.constant 0xFF800000 : f32
      %broadcast_in_dim3A_502 = vector.broadcast %jit3A_501 : f32 to vector<16xf32>
      %select_n3A_503 = arith.select %lt3A_499, %mul3A_500, %broadcast_in_dim3A_502 : vector<16xi1>, vector<16xf32>
      %reduce_max3A_504 = arith.constant true
      %reduce_max3A_505 = vector.broadcast %reduce_max3A_504 : i1 to vector<16xi1>
      %reduce_max3A_506 = tpu.scan <max>, %select_n3A_503 masked %reduce_max3A_505 : vector<16xf32>, vector<16xi1> -> vector<16xf32>
      %reduce_max3A_507 = vector.extract %reduce_max3A_506[15] : f32 from vector<16xf32>
      %eq3A_508 = arith.constant 4 : i32
      %eq3A_509 = vector.broadcast %eq3A_508 : i32 to vector<16xi32>
      %eq3A_510 = arith.cmpi eq, %iota3A, %eq3A_509 : vector<16xi32>
      %broadcast_in_dim3A_511 = vector.broadcast %reduce_max3A_507 : f32 to vector<16xf32>
      %select_n3A_512 = arith.select %eq3A_510, %broadcast_in_dim3A_511, %select_n3A_427 : vector<16xi1>, vector<16xf32>
      %broadcast_in_dim3A_513 = arith.constant 5 : i32
      %broadcast_in_dim3A_514 = vector.broadcast %broadcast_in_dim3A_513 : i32 to vector<16xi32>
      %broadcast_in_dim3A_515 = vector.shape_cast %broadcast_in_dim3A_514 : vector<16xi32> to vector<16x1xi32>
      %gather3A_516 = vector.shape_cast %broadcast_in_dim3A_515 : vector<16x1xi32> to vector<16xi32>
      %gather3A_517 = tpu.dynamic_gather %gather3A[%gather3A_516] in [0] : vector<16xf32>, vector<16xi32> -> vector<16xf32>
      %mul3A_518 = arith.mulf %gather3A_517, %gather3A : vector<16xf32>
      %broadcast_in_dim3A_519 = arith.constant 5 : i32
      %broadcast_in_dim3A_520 = vector.broadcast %broadcast_in_dim3A_519 : i32 to vector<16xi32>
      %broadcast_in_dim3A_521 = vector.shape_cast %broadcast_in_dim3A_520 : vector<16xi32> to vector<16x1xi32>
      %gather3A_522 = vector.shape_cast %broadcast_in_dim3A_521 : vector<16x1xi32> to vector<16xi32>
      %gather3A_523 = tpu.dynamic_gather %gather3A_11[%gather3A_522] in [0] : vector<16xf32>, vector<16xi32> -> vector<16xf32>
      %mul3A_524 = arith.mulf %gather3A_523, %gather3A_11 : vector<16xf32>
      %add3A_525 = arith.addf %mul3A_518, %mul3A_524 : vector<16xf32>
      %broadcast_in_dim3A_526 = arith.constant 5 : i32
      %broadcast_in_dim3A_527 = vector.broadcast %broadcast_in_dim3A_526 : i32 to vector<16xi32>
      %broadcast_in_dim3A_528 = vector.shape_cast %broadcast_in_dim3A_527 : vector<16xi32> to vector<16x1xi32>
      %gather3A_529 = vector.shape_cast %broadcast_in_dim3A_528 : vector<16x1xi32> to vector<16xi32>
      %gather3A_530 = tpu.dynamic_gather %gather3A_14[%gather3A_529] in [0] : vector<16xf32>, vector<16xi32> -> vector<16xf32>
      %mul3A_531 = arith.mulf %gather3A_530, %gather3A_14 : vector<16xf32>
      %add3A_532 = arith.addf %add3A_525, %mul3A_531 : vector<16xf32>
      %broadcast_in_dim3A_533 = arith.constant 5 : i32
      %broadcast_in_dim3A_534 = vector.broadcast %broadcast_in_dim3A_533 : i32 to vector<16xi32>
      %broadcast_in_dim3A_535 = vector.shape_cast %broadcast_in_dim3A_534 : vector<16xi32> to vector<16x1xi32>
      %gather3A_536 = vector.shape_cast %broadcast_in_dim3A_535 : vector<16x1xi32> to vector<16xi32>
      %gather3A_537 = tpu.dynamic_gather %gather3A_17[%gather3A_536] in [0] : vector<16xf32>, vector<16xi32> -> vector<16xf32>
      %mul3A_538 = arith.mulf %gather3A_537, %gather3A_17 : vector<16xf32>
      %add3A_539 = arith.addf %add3A_532, %mul3A_538 : vector<16xf32>
      %broadcast_in_dim3A_540 = arith.constant 5 : i32
      %broadcast_in_dim3A_541 = vector.broadcast %broadcast_in_dim3A_540 : i32 to vector<16xi32>
      %broadcast_in_dim3A_542 = vector.shape_cast %broadcast_in_dim3A_541 : vector<16xi32> to vector<16x1xi32>
      %gather3A_543 = vector.shape_cast %broadcast_in_dim3A_542 : vector<16x1xi32> to vector<16xi32>
      %gather3A_544 = tpu.dynamic_gather %gather3A_20[%gather3A_543] in [0] : vector<16xf32>, vector<16xi32> -> vector<16xf32>
      %mul3A_545 = arith.mulf %gather3A_544, %gather3A_20 : vector<16xf32>
      %add3A_546 = arith.addf %add3A_539, %mul3A_545 : vector<16xf32>
      %broadcast_in_dim3A_547 = arith.constant 5 : i32
      %broadcast_in_dim3A_548 = vector.broadcast %broadcast_in_dim3A_547 : i32 to vector<16xi32>
      %broadcast_in_dim3A_549 = vector.shape_cast %broadcast_in_dim3A_548 : vector<16xi32> to vector<16x1xi32>
      %gather3A_550 = vector.shape_cast %broadcast_in_dim3A_549 : vector<16x1xi32> to vector<16xi32>
      %gather3A_551 = tpu.dynamic_gather %gather3A_23[%gather3A_550] in [0] : vector<16xf32>, vector<16xi32> -> vector<16xf32>
      %mul3A_552 = arith.mulf %gather3A_551, %gather3A_23 : vector<16xf32>
      %add3A_553 = arith.addf %add3A_546, %mul3A_552 : vector<16xf32>
      %broadcast_in_dim3A_554 = arith.constant 5 : i32
      %broadcast_in_dim3A_555 = vector.broadcast %broadcast_in_dim3A_554 : i32 to vector<16xi32>
      %broadcast_in_dim3A_556 = vector.shape_cast %broadcast_in_dim3A_555 : vector<16xi32> to vector<16x1xi32>
      %gather3A_557 = vector.shape_cast %broadcast_in_dim3A_556 : vector<16x1xi32> to vector<16xi32>
      %gather3A_558 = tpu.dynamic_gather %gather3A_26[%gather3A_557] in [0] : vector<16xf32>, vector<16xi32> -> vector<16xf32>
      %mul3A_559 = arith.mulf %gather3A_558, %gather3A_26 : vector<16xf32>
      %add3A_560 = arith.addf %add3A_553, %mul3A_559 : vector<16xf32>
      %broadcast_in_dim3A_561 = arith.constant 5 : i32
      %broadcast_in_dim3A_562 = vector.broadcast %broadcast_in_dim3A_561 : i32 to vector<16xi32>
      %broadcast_in_dim3A_563 = vector.shape_cast %broadcast_in_dim3A_562 : vector<16xi32> to vector<16x1xi32>
      %gather3A_564 = vector.shape_cast %broadcast_in_dim3A_563 : vector<16x1xi32> to vector<16xi32>
      %gather3A_565 = tpu.dynamic_gather %gather3A_29[%gather3A_564] in [0] : vector<16xf32>, vector<16xi32> -> vector<16xf32>
      %mul3A_566 = arith.mulf %gather3A_565, %gather3A_29 : vector<16xf32>
      %add3A_567 = arith.addf %add3A_560, %mul3A_566 : vector<16xf32>
      %broadcast_in_dim3A_568 = arith.constant 5 : i32
      %broadcast_in_dim3A_569 = vector.broadcast %broadcast_in_dim3A_568 : i32 to vector<16xi32>
      %broadcast_in_dim3A_570 = vector.shape_cast %broadcast_in_dim3A_569 : vector<16xi32> to vector<16x1xi32>
      %gather3A_571 = vector.shape_cast %broadcast_in_dim3A_570 : vector<16x1xi32> to vector<16xi32>
      %gather3A_572 = tpu.dynamic_gather %gather3A_32[%gather3A_571] in [0] : vector<16xf32>, vector<16xi32> -> vector<16xf32>
      %mul3A_573 = arith.mulf %gather3A_572, %gather3A_32 : vector<16xf32>
      %add3A_574 = arith.addf %add3A_567, %mul3A_573 : vector<16xf32>
      %broadcast_in_dim3A_575 = arith.constant 5 : i32
      %broadcast_in_dim3A_576 = vector.broadcast %broadcast_in_dim3A_575 : i32 to vector<16xi32>
      %broadcast_in_dim3A_577 = vector.shape_cast %broadcast_in_dim3A_576 : vector<16xi32> to vector<16x1xi32>
      %gather3A_578 = vector.shape_cast %broadcast_in_dim3A_577 : vector<16x1xi32> to vector<16xi32>
      %gather3A_579 = tpu.dynamic_gather %gather3A_35[%gather3A_578] in [0] : vector<16xf32>, vector<16xi32> -> vector<16xf32>
      %mul3A_580 = arith.mulf %gather3A_579, %gather3A_35 : vector<16xf32>
      %add3A_581 = arith.addf %add3A_574, %mul3A_580 : vector<16xf32>
      %lt3A_582 = arith.constant 8 : i32
      %lt3A_583 = vector.broadcast %lt3A_582 : i32 to vector<16xi32>
      %lt3A_584 = arith.cmpi slt, %iota3A, %lt3A_583 : vector<16xi32>
      %mul3A_585 = arith.mulf %add3A_581, %div3A_86 : vector<16xf32>
      %jit3A_586 = arith.constant 0xFF800000 : f32
      %broadcast_in_dim3A_587 = vector.broadcast %jit3A_586 : f32 to vector<16xf32>
      %select_n3A_588 = arith.select %lt3A_584, %mul3A_585, %broadcast_in_dim3A_587 : vector<16xi1>, vector<16xf32>
      %reduce_max3A_589 = arith.constant true
      %reduce_max3A_590 = vector.broadcast %reduce_max3A_589 : i1 to vector<16xi1>
      %reduce_max3A_591 = tpu.scan <max>, %select_n3A_588 masked %reduce_max3A_590 : vector<16xf32>, vector<16xi1> -> vector<16xf32>
      %reduce_max3A_592 = vector.extract %reduce_max3A_591[15] : f32 from vector<16xf32>
      %eq3A_593 = arith.constant 5 : i32
      %eq3A_594 = vector.broadcast %eq3A_593 : i32 to vector<16xi32>
      %eq3A_595 = arith.cmpi eq, %iota3A, %eq3A_594 : vector<16xi32>
      %broadcast_in_dim3A_596 = vector.broadcast %reduce_max3A_592 : f32 to vector<16xf32>
      %select_n3A_597 = arith.select %eq3A_595, %broadcast_in_dim3A_596, %select_n3A_512 : vector<16xi1>, vector<16xf32>
      %broadcast_in_dim3A_598 = arith.constant 6 : i32
      %broadcast_in_dim3A_599 = vector.broadcast %broadcast_in_dim3A_598 : i32 to vector<16xi32>
      %broadcast_in_dim3A_600 = vector.shape_cast %broadcast_in_dim3A_599 : vector<16xi32> to vector<16x1xi32>
      %gather3A_601 = vector.shape_cast %broadcast_in_dim3A_600 : vector<16x1xi32> to vector<16xi32>
      %gather3A_602 = tpu.dynamic_gather %gather3A[%gather3A_601] in [0] : vector<16xf32>, vector<16xi32> -> vector<16xf32>
      %mul3A_603 = arith.mulf %gather3A_602, %gather3A : vector<16xf32>
      %broadcast_in_dim3A_604 = arith.constant 6 : i32
      %broadcast_in_dim3A_605 = vector.broadcast %broadcast_in_dim3A_604 : i32 to vector<16xi32>
      %broadcast_in_dim3A_606 = vector.shape_cast %broadcast_in_dim3A_605 : vector<16xi32> to vector<16x1xi32>
      %gather3A_607 = vector.shape_cast %broadcast_in_dim3A_606 : vector<16x1xi32> to vector<16xi32>
      %gather3A_608 = tpu.dynamic_gather %gather3A_11[%gather3A_607] in [0] : vector<16xf32>, vector<16xi32> -> vector<16xf32>
      %mul3A_609 = arith.mulf %gather3A_608, %gather3A_11 : vector<16xf32>
      %add3A_610 = arith.addf %mul3A_603, %mul3A_609 : vector<16xf32>
      %broadcast_in_dim3A_611 = arith.constant 6 : i32
      %broadcast_in_dim3A_612 = vector.broadcast %broadcast_in_dim3A_611 : i32 to vector<16xi32>
      %broadcast_in_dim3A_613 = vector.shape_cast %broadcast_in_dim3A_612 : vector<16xi32> to vector<16x1xi32>
      %gather3A_614 = vector.shape_cast %broadcast_in_dim3A_613 : vector<16x1xi32> to vector<16xi32>
      %gather3A_615 = tpu.dynamic_gather %gather3A_14[%gather3A_614] in [0] : vector<16xf32>, vector<16xi32> -> vector<16xf32>
      %mul3A_616 = arith.mulf %gather3A_615, %gather3A_14 : vector<16xf32>
      %add3A_617 = arith.addf %add3A_610, %mul3A_616 : vector<16xf32>
      %broadcast_in_dim3A_618 = arith.constant 6 : i32
      %broadcast_in_dim3A_619 = vector.broadcast %broadcast_in_dim3A_618 : i32 to vector<16xi32>
      %broadcast_in_dim3A_620 = vector.shape_cast %broadcast_in_dim3A_619 : vector<16xi32> to vector<16x1xi32>
      %gather3A_621 = vector.shape_cast %broadcast_in_dim3A_620 : vector<16x1xi32> to vector<16xi32>
      %gather3A_622 = tpu.dynamic_gather %gather3A_17[%gather3A_621] in [0] : vector<16xf32>, vector<16xi32> -> vector<16xf32>
      %mul3A_623 = arith.mulf %gather3A_622, %gather3A_17 : vector<16xf32>
      %add3A_624 = arith.addf %add3A_617, %mul3A_623 : vector<16xf32>
      %broadcast_in_dim3A_625 = arith.constant 6 : i32
      %broadcast_in_dim3A_626 = vector.broadcast %broadcast_in_dim3A_625 : i32 to vector<16xi32>
      %broadcast_in_dim3A_627 = vector.shape_cast %broadcast_in_dim3A_626 : vector<16xi32> to vector<16x1xi32>
      %gather3A_628 = vector.shape_cast %broadcast_in_dim3A_627 : vector<16x1xi32> to vector<16xi32>
      %gather3A_629 = tpu.dynamic_gather %gather3A_20[%gather3A_628] in [0] : vector<16xf32>, vector<16xi32> -> vector<16xf32>
      %mul3A_630 = arith.mulf %gather3A_629, %gather3A_20 : vector<16xf32>
      %add3A_631 = arith.addf %add3A_624, %mul3A_630 : vector<16xf32>
      %broadcast_in_dim3A_632 = arith.constant 6 : i32
      %broadcast_in_dim3A_633 = vector.broadcast %broadcast_in_dim3A_632 : i32 to vector<16xi32>
      %broadcast_in_dim3A_634 = vector.shape_cast %broadcast_in_dim3A_633 : vector<16xi32> to vector<16x1xi32>
      %gather3A_635 = vector.shape_cast %broadcast_in_dim3A_634 : vector<16x1xi32> to vector<16xi32>
      %gather3A_636 = tpu.dynamic_gather %gather3A_23[%gather3A_635] in [0] : vector<16xf32>, vector<16xi32> -> vector<16xf32>
      %mul3A_637 = arith.mulf %gather3A_636, %gather3A_23 : vector<16xf32>
      %add3A_638 = arith.addf %add3A_631, %mul3A_637 : vector<16xf32>
      %broadcast_in_dim3A_639 = arith.constant 6 : i32
      %broadcast_in_dim3A_640 = vector.broadcast %broadcast_in_dim3A_639 : i32 to vector<16xi32>
      %broadcast_in_dim3A_641 = vector.shape_cast %broadcast_in_dim3A_640 : vector<16xi32> to vector<16x1xi32>
      %gather3A_642 = vector.shape_cast %broadcast_in_dim3A_641 : vector<16x1xi32> to vector<16xi32>
      %gather3A_643 = tpu.dynamic_gather %gather3A_26[%gather3A_642] in [0] : vector<16xf32>, vector<16xi32> -> vector<16xf32>
      %mul3A_644 = arith.mulf %gather3A_643, %gather3A_26 : vector<16xf32>
      %add3A_645 = arith.addf %add3A_638, %mul3A_644 : vector<16xf32>
      %broadcast_in_dim3A_646 = arith.constant 6 : i32
      %broadcast_in_dim3A_647 = vector.broadcast %broadcast_in_dim3A_646 : i32 to vector<16xi32>
      %broadcast_in_dim3A_648 = vector.shape_cast %broadcast_in_dim3A_647 : vector<16xi32> to vector<16x1xi32>
      %gather3A_649 = vector.shape_cast %broadcast_in_dim3A_648 : vector<16x1xi32> to vector<16xi32>
      %gather3A_650 = tpu.dynamic_gather %gather3A_29[%gather3A_649] in [0] : vector<16xf32>, vector<16xi32> -> vector<16xf32>
      %mul3A_651 = arith.mulf %gather3A_650, %gather3A_29 : vector<16xf32>
      %add3A_652 = arith.addf %add3A_645, %mul3A_651 : vector<16xf32>
      %broadcast_in_dim3A_653 = arith.constant 6 : i32
      %broadcast_in_dim3A_654 = vector.broadcast %broadcast_in_dim3A_653 : i32 to vector<16xi32>
      %broadcast_in_dim3A_655 = vector.shape_cast %broadcast_in_dim3A_654 : vector<16xi32> to vector<16x1xi32>
      %gather3A_656 = vector.shape_cast %broadcast_in_dim3A_655 : vector<16x1xi32> to vector<16xi32>
      %gather3A_657 = tpu.dynamic_gather %gather3A_32[%gather3A_656] in [0] : vector<16xf32>, vector<16xi32> -> vector<16xf32>
      %mul3A_658 = arith.mulf %gather3A_657, %gather3A_32 : vector<16xf32>
      %add3A_659 = arith.addf %add3A_652, %mul3A_658 : vector<16xf32>
      %broadcast_in_dim3A_660 = arith.constant 6 : i32
      %broadcast_in_dim3A_661 = vector.broadcast %broadcast_in_dim3A_660 : i32 to vector<16xi32>
      %broadcast_in_dim3A_662 = vector.shape_cast %broadcast_in_dim3A_661 : vector<16xi32> to vector<16x1xi32>
      %gather3A_663 = vector.shape_cast %broadcast_in_dim3A_662 : vector<16x1xi32> to vector<16xi32>
      %gather3A_664 = tpu.dynamic_gather %gather3A_35[%gather3A_663] in [0] : vector<16xf32>, vector<16xi32> -> vector<16xf32>
      %mul3A_665 = arith.mulf %gather3A_664, %gather3A_35 : vector<16xf32>
      %add3A_666 = arith.addf %add3A_659, %mul3A_665 : vector<16xf32>
      %lt3A_667 = arith.constant 8 : i32
      %lt3A_668 = vector.broadcast %lt3A_667 : i32 to vector<16xi32>
      %lt3A_669 = arith.cmpi slt, %iota3A, %lt3A_668 : vector<16xi32>
      %mul3A_670 = arith.mulf %add3A_666, %div3A_86 : vector<16xf32>
      %jit3A_671 = arith.constant 0xFF800000 : f32
      %broadcast_in_dim3A_672 = vector.broadcast %jit3A_671 : f32 to vector<16xf32>
      %select_n3A_673 = arith.select %lt3A_669, %mul3A_670, %broadcast_in_dim3A_672 : vector<16xi1>, vector<16xf32>
      %reduce_max3A_674 = arith.constant true
      %reduce_max3A_675 = vector.broadcast %reduce_max3A_674 : i1 to vector<16xi1>
      %reduce_max3A_676 = tpu.scan <max>, %select_n3A_673 masked %reduce_max3A_675 : vector<16xf32>, vector<16xi1> -> vector<16xf32>
      %reduce_max3A_677 = vector.extract %reduce_max3A_676[15] : f32 from vector<16xf32>
      %eq3A_678 = arith.constant 6 : i32
      %eq3A_679 = vector.broadcast %eq3A_678 : i32 to vector<16xi32>
      %eq3A_680 = arith.cmpi eq, %iota3A, %eq3A_679 : vector<16xi32>
      %broadcast_in_dim3A_681 = vector.broadcast %reduce_max3A_677 : f32 to vector<16xf32>
      %select_n3A_682 = arith.select %eq3A_680, %broadcast_in_dim3A_681, %select_n3A_597 : vector<16xi1>, vector<16xf32>
      %broadcast_in_dim3A_683 = arith.constant 7 : i32
      %broadcast_in_dim3A_684 = vector.broadcast %broadcast_in_dim3A_683 : i32 to vector<16xi32>
      %broadcast_in_dim3A_685 = vector.shape_cast %broadcast_in_dim3A_684 : vector<16xi32> to vector<16x1xi32>
      %gather3A_686 = vector.shape_cast %broadcast_in_dim3A_685 : vector<16x1xi32> to vector<16xi32>
      %gather3A_687 = tpu.dynamic_gather %gather3A[%gather3A_686] in [0] : vector<16xf32>, vector<16xi32> -> vector<16xf32>
      %mul3A_688 = arith.mulf %gather3A_687, %gather3A : vector<16xf32>
      %broadcast_in_dim3A_689 = arith.constant 7 : i32
      %broadcast_in_dim3A_690 = vector.broadcast %broadcast_in_dim3A_689 : i32 to vector<16xi32>
      %broadcast_in_dim3A_691 = vector.shape_cast %broadcast_in_dim3A_690 : vector<16xi32> to vector<16x1xi32>
      %gather3A_692 = vector.shape_cast %broadcast_in_dim3A_691 : vector<16x1xi32> to vector<16xi32>
      %gather3A_693 = tpu.dynamic_gather %gather3A_11[%gather3A_692] in [0] : vector<16xf32>, vector<16xi32> -> vector<16xf32>
      %mul3A_694 = arith.mulf %gather3A_693, %gather3A_11 : vector<16xf32>
      %add3A_695 = arith.addf %mul3A_688, %mul3A_694 : vector<16xf32>
      %broadcast_in_dim3A_696 = arith.constant 7 : i32
      %broadcast_in_dim3A_697 = vector.broadcast %broadcast_in_dim3A_696 : i32 to vector<16xi32>
      %broadcast_in_dim3A_698 = vector.shape_cast %broadcast_in_dim3A_697 : vector<16xi32> to vector<16x1xi32>
      %gather3A_699 = vector.shape_cast %broadcast_in_dim3A_698 : vector<16x1xi32> to vector<16xi32>
      %gather3A_700 = tpu.dynamic_gather %gather3A_14[%gather3A_699] in [0] : vector<16xf32>, vector<16xi32> -> vector<16xf32>
      %mul3A_701 = arith.mulf %gather3A_700, %gather3A_14 : vector<16xf32>
      %add3A_702 = arith.addf %add3A_695, %mul3A_701 : vector<16xf32>
      %broadcast_in_dim3A_703 = arith.constant 7 : i32
      %broadcast_in_dim3A_704 = vector.broadcast %broadcast_in_dim3A_703 : i32 to vector<16xi32>
      %broadcast_in_dim3A_705 = vector.shape_cast %broadcast_in_dim3A_704 : vector<16xi32> to vector<16x1xi32>
      %gather3A_706 = vector.shape_cast %broadcast_in_dim3A_705 : vector<16x1xi32> to vector<16xi32>
      %gather3A_707 = tpu.dynamic_gather %gather3A_17[%gather3A_706] in [0] : vector<16xf32>, vector<16xi32> -> vector<16xf32>
      %mul3A_708 = arith.mulf %gather3A_707, %gather3A_17 : vector<16xf32>
      %add3A_709 = arith.addf %add3A_702, %mul3A_708 : vector<16xf32>
      %broadcast_in_dim3A_710 = arith.constant 7 : i32
      %broadcast_in_dim3A_711 = vector.broadcast %broadcast_in_dim3A_710 : i32 to vector<16xi32>
      %broadcast_in_dim3A_712 = vector.shape_cast %broadcast_in_dim3A_711 : vector<16xi32> to vector<16x1xi32>
      %gather3A_713 = vector.shape_cast %broadcast_in_dim3A_712 : vector<16x1xi32> to vector<16xi32>
      %gather3A_714 = tpu.dynamic_gather %gather3A_20[%gather3A_713] in [0] : vector<16xf32>, vector<16xi32> -> vector<16xf32>
      %mul3A_715 = arith.mulf %gather3A_714, %gather3A_20 : vector<16xf32>
      %add3A_716 = arith.addf %add3A_709, %mul3A_715 : vector<16xf32>
      %broadcast_in_dim3A_717 = arith.constant 7 : i32
      %broadcast_in_dim3A_718 = vector.broadcast %broadcast_in_dim3A_717 : i32 to vector<16xi32>
      %broadcast_in_dim3A_719 = vector.shape_cast %broadcast_in_dim3A_718 : vector<16xi32> to vector<16x1xi32>
      %gather3A_720 = vector.shape_cast %broadcast_in_dim3A_719 : vector<16x1xi32> to vector<16xi32>
      %gather3A_721 = tpu.dynamic_gather %gather3A_23[%gather3A_720] in [0] : vector<16xf32>, vector<16xi32> -> vector<16xf32>
      %mul3A_722 = arith.mulf %gather3A_721, %gather3A_23 : vector<16xf32>
      %add3A_723 = arith.addf %add3A_716, %mul3A_722 : vector<16xf32>
      %broadcast_in_dim3A_724 = arith.constant 7 : i32
      %broadcast_in_dim3A_725 = vector.broadcast %broadcast_in_dim3A_724 : i32 to vector<16xi32>
      %broadcast_in_dim3A_726 = vector.shape_cast %broadcast_in_dim3A_725 : vector<16xi32> to vector<16x1xi32>
      %gather3A_727 = vector.shape_cast %broadcast_in_dim3A_726 : vector<16x1xi32> to vector<16xi32>
      %gather3A_728 = tpu.dynamic_gather %gather3A_26[%gather3A_727] in [0] : vector<16xf32>, vector<16xi32> -> vector<16xf32>
      %mul3A_729 = arith.mulf %gather3A_728, %gather3A_26 : vector<16xf32>
      %add3A_730 = arith.addf %add3A_723, %mul3A_729 : vector<16xf32>
      %broadcast_in_dim3A_731 = arith.constant 7 : i32
      %broadcast_in_dim3A_732 = vector.broadcast %broadcast_in_dim3A_731 : i32 to vector<16xi32>
      %broadcast_in_dim3A_733 = vector.shape_cast %broadcast_in_dim3A_732 : vector<16xi32> to vector<16x1xi32>
      %gather3A_734 = vector.shape_cast %broadcast_in_dim3A_733 : vector<16x1xi32> to vector<16xi32>
      %gather3A_735 = tpu.dynamic_gather %gather3A_29[%gather3A_734] in [0] : vector<16xf32>, vector<16xi32> -> vector<16xf32>
      %mul3A_736 = arith.mulf %gather3A_735, %gather3A_29 : vector<16xf32>
      %add3A_737 = arith.addf %add3A_730, %mul3A_736 : vector<16xf32>
      %broadcast_in_dim3A_738 = arith.constant 7 : i32
      %broadcast_in_dim3A_739 = vector.broadcast %broadcast_in_dim3A_738 : i32 to vector<16xi32>
      %broadcast_in_dim3A_740 = vector.shape_cast %broadcast_in_dim3A_739 : vector<16xi32> to vector<16x1xi32>
      %gather3A_741 = vector.shape_cast %broadcast_in_dim3A_740 : vector<16x1xi32> to vector<16xi32>
      %gather3A_742 = tpu.dynamic_gather %gather3A_32[%gather3A_741] in [0] : vector<16xf32>, vector<16xi32> -> vector<16xf32>
      %mul3A_743 = arith.mulf %gather3A_742, %gather3A_32 : vector<16xf32>
      %add3A_744 = arith.addf %add3A_737, %mul3A_743 : vector<16xf32>
      %broadcast_in_dim3A_745 = arith.constant 7 : i32
      %broadcast_in_dim3A_746 = vector.broadcast %broadcast_in_dim3A_745 : i32 to vector<16xi32>
      %broadcast_in_dim3A_747 = vector.shape_cast %broadcast_in_dim3A_746 : vector<16xi32> to vector<16x1xi32>
      %gather3A_748 = vector.shape_cast %broadcast_in_dim3A_747 : vector<16x1xi32> to vector<16xi32>
      %gather3A_749 = tpu.dynamic_gather %gather3A_35[%gather3A_748] in [0] : vector<16xf32>, vector<16xi32> -> vector<16xf32>
      %mul3A_750 = arith.mulf %gather3A_749, %gather3A_35 : vector<16xf32>
      %add3A_751 = arith.addf %add3A_744, %mul3A_750 : vector<16xf32>
      %lt3A_752 = arith.constant 8 : i32
      %lt3A_753 = vector.broadcast %lt3A_752 : i32 to vector<16xi32>
      %lt3A_754 = arith.cmpi slt, %iota3A, %lt3A_753 : vector<16xi32>
      %mul3A_755 = arith.mulf %add3A_751, %div3A_86 : vector<16xf32>
      %jit3A_756 = arith.constant 0xFF800000 : f32
      %broadcast_in_dim3A_757 = vector.broadcast %jit3A_756 : f32 to vector<16xf32>
      %select_n3A_758 = arith.select %lt3A_754, %mul3A_755, %broadcast_in_dim3A_757 : vector<16xi1>, vector<16xf32>
      %reduce_max3A_759 = arith.constant true
      %reduce_max3A_760 = vector.broadcast %reduce_max3A_759 : i1 to vector<16xi1>
      %reduce_max3A_761 = tpu.scan <max>, %select_n3A_758 masked %reduce_max3A_760 : vector<16xf32>, vector<16xi1> -> vector<16xf32>
      %reduce_max3A_762 = vector.extract %reduce_max3A_761[15] : f32 from vector<16xf32>
      %eq3A_763 = arith.constant 7 : i32
      %eq3A_764 = vector.broadcast %eq3A_763 : i32 to vector<16xi32>
      %eq3A_765 = arith.cmpi eq, %iota3A, %eq3A_764 : vector<16xi32>
      %broadcast_in_dim3A_766 = vector.broadcast %reduce_max3A_762 : f32 to vector<16xf32>
      %select_n3A_767 = arith.select %eq3A_765, %broadcast_in_dim3A_766, %select_n3A_682 : vector<16xi1>, vector<16xf32>
      %broadcast_in_dim3A_768 = arith.constant 0.000000e+00 : f32
      %broadcast_in_dim3A_769 = vector.broadcast %broadcast_in_dim3A_768 : f32 to vector<16xf32>
      %broadcast_in_dim3A_770 = vector.broadcast %select_n3A : i32 to vector<16xi32>
      %broadcast_in_dim3A_771 = vector.shape_cast %broadcast_in_dim3A_770 : vector<16xi32> to vector<16x1xi32>
      %gather3A_772 = vector.shape_cast %broadcast_in_dim3A_771 : vector<16x1xi32> to vector<16xi32>
      %gather3A_773 = tpu.dynamic_gather %gather3A[%gather3A_772] in [0] : vector<16xf32>, vector<16xi32> -> vector<16xf32>
      %mul3A_774 = arith.mulf %gather3A_773, %gather3A : vector<16xf32>
      %add3A_775 = arith.addf %broadcast_in_dim3A_769, %mul3A_774 : vector<16xf32>
      %broadcast_in_dim3A_776 = vector.broadcast %select_n3A : i32 to vector<16xi32>
      %broadcast_in_dim3A_777 = vector.shape_cast %broadcast_in_dim3A_776 : vector<16xi32> to vector<16x1xi32>
      %gather3A_778 = vector.shape_cast %broadcast_in_dim3A_777 : vector<16x1xi32> to vector<16xi32>
      %gather3A_779 = tpu.dynamic_gather %gather3A_11[%gather3A_778] in [0] : vector<16xf32>, vector<16xi32> -> vector<16xf32>
      %mul3A_780 = arith.mulf %gather3A_779, %gather3A_11 : vector<16xf32>
      %add3A_781 = arith.addf %add3A_775, %mul3A_780 : vector<16xf32>
      %broadcast_in_dim3A_782 = vector.broadcast %select_n3A : i32 to vector<16xi32>
      %broadcast_in_dim3A_783 = vector.shape_cast %broadcast_in_dim3A_782 : vector<16xi32> to vector<16x1xi32>
      %gather3A_784 = vector.shape_cast %broadcast_in_dim3A_783 : vector<16x1xi32> to vector<16xi32>
      %gather3A_785 = tpu.dynamic_gather %gather3A_14[%gather3A_784] in [0] : vector<16xf32>, vector<16xi32> -> vector<16xf32>
      %mul3A_786 = arith.mulf %gather3A_785, %gather3A_14 : vector<16xf32>
      %add3A_787 = arith.addf %add3A_781, %mul3A_786 : vector<16xf32>
      %broadcast_in_dim3A_788 = vector.broadcast %select_n3A : i32 to vector<16xi32>
      %broadcast_in_dim3A_789 = vector.shape_cast %broadcast_in_dim3A_788 : vector<16xi32> to vector<16x1xi32>
      %gather3A_790 = vector.shape_cast %broadcast_in_dim3A_789 : vector<16x1xi32> to vector<16xi32>
      %gather3A_791 = tpu.dynamic_gather %gather3A_17[%gather3A_790] in [0] : vector<16xf32>, vector<16xi32> -> vector<16xf32>
      %mul3A_792 = arith.mulf %gather3A_791, %gather3A_17 : vector<16xf32>
      %add3A_793 = arith.addf %add3A_787, %mul3A_792 : vector<16xf32>
      %broadcast_in_dim3A_794 = vector.broadcast %select_n3A : i32 to vector<16xi32>
      %broadcast_in_dim3A_795 = vector.shape_cast %broadcast_in_dim3A_794 : vector<16xi32> to vector<16x1xi32>
      %gather3A_796 = vector.shape_cast %broadcast_in_dim3A_795 : vector<16x1xi32> to vector<16xi32>
      %gather3A_797 = tpu.dynamic_gather %gather3A_20[%gather3A_796] in [0] : vector<16xf32>, vector<16xi32> -> vector<16xf32>
      %mul3A_798 = arith.mulf %gather3A_797, %gather3A_20 : vector<16xf32>
      %add3A_799 = arith.addf %add3A_793, %mul3A_798 : vector<16xf32>
      %broadcast_in_dim3A_800 = vector.broadcast %select_n3A : i32 to vector<16xi32>
      %broadcast_in_dim3A_801 = vector.shape_cast %broadcast_in_dim3A_800 : vector<16xi32> to vector<16x1xi32>
      %gather3A_802 = vector.shape_cast %broadcast_in_dim3A_801 : vector<16x1xi32> to vector<16xi32>
      %gather3A_803 = tpu.dynamic_gather %gather3A_23[%gather3A_802] in [0] : vector<16xf32>, vector<16xi32> -> vector<16xf32>
      %mul3A_804 = arith.mulf %gather3A_803, %gather3A_23 : vector<16xf32>
      %add3A_805 = arith.addf %add3A_799, %mul3A_804 : vector<16xf32>
      %broadcast_in_dim3A_806 = vector.broadcast %select_n3A : i32 to vector<16xi32>
      %broadcast_in_dim3A_807 = vector.shape_cast %broadcast_in_dim3A_806 : vector<16xi32> to vector<16x1xi32>
      %gather3A_808 = vector.shape_cast %broadcast_in_dim3A_807 : vector<16x1xi32> to vector<16xi32>
      %gather3A_809 = tpu.dynamic_gather %gather3A_26[%gather3A_808] in [0] : vector<16xf32>, vector<16xi32> -> vector<16xf32>
      %mul3A_810 = arith.mulf %gather3A_809, %gather3A_26 : vector<16xf32>
      %add3A_811 = arith.addf %add3A_805, %mul3A_810 : vector<16xf32>
      %broadcast_in_dim3A_812 = vector.broadcast %select_n3A : i32 to vector<16xi32>
      %broadcast_in_dim3A_813 = vector.shape_cast %broadcast_in_dim3A_812 : vector<16xi32> to vector<16x1xi32>
      %gather3A_814 = vector.shape_cast %broadcast_in_dim3A_813 : vector<16x1xi32> to vector<16xi32>
      %gather3A_815 = tpu.dynamic_gather %gather3A_29[%gather3A_814] in [0] : vector<16xf32>, vector<16xi32> -> vector<16xf32>
      %mul3A_816 = arith.mulf %gather3A_815, %gather3A_29 : vector<16xf32>
      %add3A_817 = arith.addf %add3A_811, %mul3A_816 : vector<16xf32>
      %broadcast_in_dim3A_818 = vector.broadcast %select_n3A : i32 to vector<16xi32>
      %broadcast_in_dim3A_819 = vector.shape_cast %broadcast_in_dim3A_818 : vector<16xi32> to vector<16x1xi32>
      %gather3A_820 = vector.shape_cast %broadcast_in_dim3A_819 : vector<16x1xi32> to vector<16xi32>
      %gather3A_821 = tpu.dynamic_gather %gather3A_32[%gather3A_820] in [0] : vector<16xf32>, vector<16xi32> -> vector<16xf32>
      %mul3A_822 = arith.mulf %gather3A_821, %gather3A_32 : vector<16xf32>
      %add3A_823 = arith.addf %add3A_817, %mul3A_822 : vector<16xf32>
      %broadcast_in_dim3A_824 = vector.broadcast %select_n3A : i32 to vector<16xi32>
      %broadcast_in_dim3A_825 = vector.shape_cast %broadcast_in_dim3A_824 : vector<16xi32> to vector<16x1xi32>
      %gather3A_826 = vector.shape_cast %broadcast_in_dim3A_825 : vector<16x1xi32> to vector<16xi32>
      %gather3A_827 = tpu.dynamic_gather %gather3A_35[%gather3A_826] in [0] : vector<16xf32>, vector<16xi32> -> vector<16xf32>
      %mul3A_828 = arith.mulf %gather3A_827, %gather3A_35 : vector<16xf32>
      %add3A_829 = arith.addf %add3A_823, %mul3A_828 : vector<16xf32>
      %broadcast_in_dim3A_830 = vector.broadcast %select_n3A : i32 to vector<16xi32>
      %broadcast_in_dim3A_831 = vector.shape_cast %broadcast_in_dim3A_830 : vector<16xi32> to vector<16x1xi32>
      %gather3A_832 = vector.shape_cast %broadcast_in_dim3A_831 : vector<16x1xi32> to vector<16xi32>
      %gather3A_833 = tpu.dynamic_gather %max3A_84[%gather3A_832] in [0] : vector<16xf32>, vector<16xi32> -> vector<16xf32>
      %lt3A_834 = arith.constant 8 : i32
      %lt3A_835 = vector.broadcast %lt3A_834 : i32 to vector<16xi32>
      %lt3A_836 = arith.cmpi slt, %iota3A, %lt3A_835 : vector<16xi32>
      %mul3A_837 = arith.mulf %gather3A_833, %select_n3A_767 : vector<16xf32>
      %div3A_838 = arith.divf %add3A_829, %mul3A_837 : vector<16xf32>
      %jit3A_839 = arith.constant 0xFF800000 : f32
      %broadcast_in_dim3A_840 = vector.broadcast %jit3A_839 : f32 to vector<16xf32>
      %select_n3A_841 = arith.select %lt3A_836, %div3A_838, %broadcast_in_dim3A_840 : vector<16xi1>, vector<16xf32>
      %masked_sort3A = arith.constant dense<true> : vector<16xi1>
      %masked_sort3A_842, %masked_sort3A_843, %masked_sort3A_844 = tpu.sort %select_n3A_841, %iota3A masked %masked_sort3A {descending = true} : (vector<16xf32>, vector<16xi32>, vector<16xi1>) -> (vector<16xi1>, vector<16xf32>, vector<16xi32>)
      %swap3A = arith.constant 0 : index
      %swap3A_845 = tpu.vector_load %arg13[%swap3A] {strides = array<i32>} : memref<16xf32, #tpu.memory_space<vmem>>, vector<16xf32>,
      tpu.vector_store %arg13[%swap3A], %masked_sort3A_843 {strides = array<i32>} : memref<16xf32, #tpu.memory_space<vmem>>, vector<16xf32>,
      %swap3A_846 = arith.constant 0 : index
      %swap3A_847 = tpu.vector_load %arg14[%swap3A_846] {strides = array<i32>} : memref<16xi32, #tpu.memory_space<vmem>>, vector<16xi32>,
      tpu.vector_store %arg14[%swap3A_846], %masked_sort3A_844 {strides = array<i32>} : memref<16xi32, #tpu.memory_space<vmem>>, vector<16xi32>,
      %swap3A_848 = arith.constant 0 : index
      %swap3A_849 = tpu.vector_load %arg15[%swap3A_848] {strides = array<i32>} : memref<16xf32, #tpu.memory_space<vmem>>, vector<16xf32>,
      tpu.vector_store %arg15[%swap3A_848], %select_n3A_841 {strides = array<i32>} : memref<16xf32, #tpu.memory_space<vmem>>, vector<16xf32>,
      "tpu.region"() ({
        %run_scoped3A = tpu.sem_alloc : memref<!tpu.dma_semaphore, #tpu.memory_space<semaphore_mem>>
        %dma_start3A = arith.constant 0 : i32
        %dma_start3A_850 = tpu.memref_slice %arg5[%arg1, %dma_start3A] : memref<8x16xf32, #tpu.memory_space<hbm>> -> memref<1x16xf32, #tpu.memory_space<hbm>>
        %dma_start3A_851 = tpu.memref_squeeze %dma_start3A_850 : memref<1x16xf32, #tpu.memory_space<hbm>> -> memref<16xf32, #tpu.memory_space<hbm>>
        %dma_start3A_852 = arith.constant 0 : i32
        %dma_start3A_853 = tpu.memref_slice %arg5[%arg1, %dma_start3A_852] : memref<8x16xf32, #tpu.memory_space<hbm>> -> memref<1x16xf32, #tpu.memory_space<hbm>>
        %dma_start3A_854 = tpu.memref_squeeze %dma_start3A_853 : memref<1x16xf32, #tpu.memory_space<hbm>> -> memref<16xf32, #tpu.memory_space<hbm>>
        tpu.enqueue_dma source(%arg13 : memref<16xf32, #tpu.memory_space<vmem>>) target(%dma_start3A_854 : memref<16xf32, #tpu.memory_space<hbm>>) target_semaphore(%run_scoped3A : memref<!tpu.dma_semaphore, #tpu.memory_space<semaphore_mem>>)
        %dma_wait3A = arith.constant 0 : i32
        %dma_wait3A_855 = tpu.memref_slice %arg5[%arg1, %dma_wait3A] : memref<8x16xf32, #tpu.memory_space<hbm>> -> memref<1x16xf32, #tpu.memory_space<hbm>>
        %dma_wait3A_856 = tpu.memref_squeeze %dma_wait3A_855 : memref<1x16xf32, #tpu.memory_space<hbm>> -> memref<16xf32, #tpu.memory_space<hbm>>
        %dma_wait3A_857 = arith.constant 0 : i32
        %dma_wait3A_858 = tpu.memref_slice %arg5[%arg1, %dma_wait3A_857] : memref<8x16xf32, #tpu.memory_space<hbm>> -> memref<1x16xf32, #tpu.memory_space<hbm>>
        %dma_wait3A_859 = tpu.memref_squeeze %dma_wait3A_858 : memref<1x16xf32, #tpu.memory_space<hbm>> -> memref<16xf32, #tpu.memory_space<hbm>>
        tpu.wait_dma2 semaphore(%run_scoped3A : memref<!tpu.dma_semaphore, #tpu.memory_space<semaphore_mem>>) src(%arg13 : memref<16xf32, #tpu.memory_space<vmem>>) dst(%dma_wait3A_859 : memref<16xf32, #tpu.memory_space<hbm>>)
        tpu.yield
      }) : () -> ()
      "tpu.region"() ({
        %run_scoped3A = tpu.sem_alloc : memref<!tpu.dma_semaphore, #tpu.memory_space<semaphore_mem>>
        %dma_start3A = arith.constant 0 : i32
        %dma_start3A_850 = tpu.memref_slice %arg6[%arg1, %dma_start3A] : memref<8x16xi32, #tpu.memory_space<hbm>> -> memref<1x16xi32, #tpu.memory_space<hbm>>
        %dma_start3A_851 = tpu.memref_squeeze %dma_start3A_850 : memref<1x16xi32, #tpu.memory_space<hbm>> -> memref<16xi32, #tpu.memory_space<hbm>>
        %dma_start3A_852 = arith.constant 0 : i32
        %dma_start3A_853 = tpu.memref_slice %arg6[%arg1, %dma_start3A_852] : memref<8x16xi32, #tpu.memory_space<hbm>> -> memref<1x16xi32, #tpu.memory_space<hbm>>
        %dma_start3A_854 = tpu.memref_squeeze %dma_start3A_853 : memref<1x16xi32, #tpu.memory_space<hbm>> -> memref<16xi32, #tpu.memory_space<hbm>>
        tpu.enqueue_dma source(%arg14 : memref<16xi32, #tpu.memory_space<vmem>>) target(%dma_start3A_854 : memref<16xi32, #tpu.memory_space<hbm>>) target_semaphore(%run_scoped3A : memref<!tpu.dma_semaphore, #tpu.memory_space<semaphore_mem>>)
        %dma_wait3A = arith.constant 0 : i32
        %dma_wait3A_855 = tpu.memref_slice %arg6[%arg1, %dma_wait3A] : memref<8x16xi32, #tpu.memory_space<hbm>> -> memref<1x16xi32, #tpu.memory_space<hbm>>
        %dma_wait3A_856 = tpu.memref_squeeze %dma_wait3A_855 : memref<1x16xi32, #tpu.memory_space<hbm>> -> memref<16xi32, #tpu.memory_space<hbm>>
        %dma_wait3A_857 = arith.constant 0 : i32
        %dma_wait3A_858 = tpu.memref_slice %arg6[%arg1, %dma_wait3A_857] : memref<8x16xi32, #tpu.memory_space<hbm>> -> memref<1x16xi32, #tpu.memory_space<hbm>>
        %dma_wait3A_859 = tpu.memref_squeeze %dma_wait3A_858 : memref<1x16xi32, #tpu.memory_space<hbm>> -> memref<16xi32, #tpu.memory_space<hbm>>
        tpu.wait_dma2 semaphore(%run_scoped3A : memref<!tpu.dma_semaphore, #tpu.memory_space<semaphore_mem>>) src(%arg14 : memref<16xi32, #tpu.memory_space<vmem>>) dst(%dma_wait3A_859 : memref<16xi32, #tpu.memory_space<hbm>>)
        tpu.yield
      }) : () -> ()
      "tpu.region"() ({
        %run_scoped3A = tpu.sem_alloc : memref<!tpu.dma_semaphore, #tpu.memory_space<semaphore_mem>>
        %dma_start3A = arith.constant 0 : i32
        %dma_start3A_850 = tpu.memref_slice %arg7[%arg1, %dma_start3A] : memref<8x16xf32, #tpu.memory_space<hbm>> -> memref<1x16xf32, #tpu.memory_space<hbm>>
        %dma_start3A_851 = tpu.memref_squeeze %dma_start3A_850 : memref<1x16xf32, #tpu.memory_space<hbm>> -> memref<16xf32, #tpu.memory_space<hbm>>
        %dma_start3A_852 = arith.constant 0 : i32
        %dma_start3A_853 = tpu.memref_slice %arg7[%arg1, %dma_start3A_852] : memref<8x16xf32, #tpu.memory_space<hbm>> -> memref<1x16xf32, #tpu.memory_space<hbm>>
        %dma_start3A_854 = tpu.memref_squeeze %dma_start3A_853 : memref<1x16xf32, #tpu.memory_space<hbm>> -> memref<16xf32, #tpu.memory_space<hbm>>
        tpu.enqueue_dma source(%arg15 : memref<16xf32, #tpu.memory_space<vmem>>) target(%dma_start3A_854 : memref<16xf32, #tpu.memory_space<hbm>>) target_semaphore(%run_scoped3A : memref<!tpu.dma_semaphore, #tpu.memory_space<semaphore_mem>>)
        %dma_wait3A = arith.constant 0 : i32
        %dma_wait3A_855 = tpu.memref_slice %arg7[%arg1, %dma_wait3A] : memref<8x16xf32, #tpu.memory_space<hbm>> -> memref<1x16xf32, #tpu.memory_space<hbm>>
        %dma_wait3A_856 = tpu.memref_squeeze %dma_wait3A_855 : memref<1x16xf32, #tpu.memory_space<hbm>> -> memref<16xf32, #tpu.memory_space<hbm>>
        %dma_wait3A_857 = arith.constant 0 : i32
        %dma_wait3A_858 = tpu.memref_slice %arg7[%arg1, %dma_wait3A_857] : memref<8x16xf32, #tpu.memory_space<hbm>> -> memref<1x16xf32, #tpu.memory_space<hbm>>
        %dma_wait3A_859 = tpu.memref_squeeze %dma_wait3A_858 : memref<1x16xf32, #tpu.memory_space<hbm>> -> memref<16xf32, #tpu.memory_space<hbm>>
        tpu.wait_dma2 semaphore(%run_scoped3A : memref<!tpu.dma_semaphore, #tpu.memory_space<semaphore_mem>>) src(%arg15 : memref<16xf32, #tpu.memory_space<vmem>>) dst(%dma_wait3A_859 : memref<16xf32, #tpu.memory_space<hbm>>)
        tpu.yield
      }) : () -> ()
    } else {
    }
    return
  }
}

</mosaic_0001>

<sc_bundles>
// kernel: kernel.3.cloned.1.call-start
scs
__scs_entry_jumppad:
0x0: {  	(pc) =	sbr.rel $0x88, $3  }
0x1: {  	(tag) =	ssettag $0x0;
	lr =	simm.s32 $0x1  }
0x2: {  	[smem:$0x3F9E] =	sst lr;
	_ =	strace $0xD0000000  }
0x3: {  	_ = 	snop  }
0x4: {  	_ = 	snop  }
0x5: {  	_ = 	snop  }
0x6: {  	_ = 	snop  }
0x7: {  	_ = 	snop  }
__scs_overlays_trampoline_lowered:
0x8: {  	[smem:$0x3FAD] =	sst s0  }
0x9: {  	[smem:$0x3FAE] =	sst s1  }
0xa: {  	[smem:$0x3FAF] =	sst s2  }
0xb: {  	[smem:$0x3FB0] =	sst s3  }
0xc: {  	[smem:$0x3FB1] =	sst s4  }
0xd: {  	[smem:$0x3FB2] =	sst s5  }
0xe: {  	[smem:$0x3FB3] =	sst s6  }
0xf: {  	[smem:$0x3FB4] =	sst s7  }
0x10: {  	[smem:$0x3FB5] =	sst s8  }
0x11: {  	[smem:$0x3FB6] =	sst s9;
	s0 =	simm.s32 @!p0 $0x0  }
0x12: {  	s1 =	sld [smem:$0x3F9C];
	s0 =	simm.s32 @p0 $0x1  }
0x13: {  	[smem:$0x3FB7] =	sst s0;
	s0 =	simm.s32 @!p1 $0x0  }
0x14: {  	s2 =	sld [smem:$0x3F9B];
	s0 =	simm.s32 @p1 $0x1  }
0x15: {  	[smem:$0x3FB8] =	sst s0;
	s0 =	simm.s32 @!p2 $0x0  }
0x16: {  	s3 =	sld [smem:$0x3FDB];
	s0 =	simm.s32 @p2 $0x1  }
0x17: {  	s4 =	simm.s32 $0x1BF5;
	[smem:$0x3FBA] =	sst s0  }
0x18: {  	s0 =	sld [smem:$0x3F9D];
	_ =	swait.ge [sflag:s4], $0x0  }
0x19: {  	s7 =	sld [smem:$0x3F9E]  }
0x1a: {  	s8 =	sadd.s32 $0xFFFFE003, lr  }
0x1b: {  	s9 =	sadd.s32 $0xFFFFFEF7, lr;
	s5 =	simm.s32 $0xFFFFFFFF;
	p2 =	slt.u32 s8, $0xFFFFF086  }
0x1c: {  	p1 =	slt.u32 s9, $0xF7A;
	s5 =	simm.s32 @!p2 $0x0  }
0x1d: {  	s5 =	simm.s32 @p1 $0x1;
	p0 =	seq.s32 s7, s2  }
0x1e: {  	s7 =	smul.u32 @!p0 $0xF7A, s2;
	p2 =	seq.s32 @!p0 s5, $0x0  }
0x1f: {  	s9 =	smul.u32 $0xF7A, s1;
	s8 =	simm.s32 @!p0 $0x1BF5;
	p2 =	por !p2, p0  }
0x20: {  	[sflag:s8] =	ssyncset.s32 @!p0 $0xFFFFF086;
	s6 =	sadd.s32 @!p0 s3, s7;
	s7 =	simm.s32 @!p0 $0x108  }
0x21: {  	s3 =	sadd.s32 s3, s9;
	s6 =	sadd.s32 @!p0 $0x88, s6;
	s7 =	simm.s32 @p2 $0x1082  }
0x22: {  	[simem:s7], [sflag:s8] =	dma.local @!p0 [hbm:s6], $0xF7A  }
0x23: {  	s9 =	sor.u32 $0xD0000000, s2;
	s6 =	simm.s32 $0x108;
	_ =	swait.ge @!p0 [sflag:s8], $0x0  }
0x24: {  	s3 =	sadd.s32 $0x88, s3;
	s6 =	simm.s32 @!p1 $0x1082;
	[sflag:s4] =	ssyncset.s32 $0xFFFFF086  }
0x25: {  	[simem:s6], [sflag:s4] =	dma.local [hbm:s3], $0xF7A  }
0x26: {  	[smem:$0x3F9E] =	sst s1;
	(tag) =	ssettag s2;
	_ =	strace s9  }
0x27: {  	s1 =	sld [smem:$0x3FAE]  }
0x28: {  	s2 =	sld [smem:$0x3FAF]  }
0x29: {  	s4 =	sld [smem:$0x3FB1]  }
0x2a: {  	p0 =	seq.s32 s5, $0x0;
	s5 =	sld [smem:$0x3FB2]  }
0x2b: {  	s6 =	sld [smem:$0x3FB3]  }
0x2c: {  	s7 =	sld [smem:$0x3FB4]  }
0x2d: {  	s3 =	simm.s32 $0x108;
	s8 =	sld [smem:$0x3FB5]  }
0x2e: {  	s3 =	simm.s32 @!p0 $0x1082;
	s9 =	sld [smem:$0x3FB6]  }
0x2f: {  	lr =	sadd.s32 s0, s3;
	s0 =	sld [smem:$0x3FAD]  }
0x30: {  	s3 =	sld [smem:$0x3FB0]  }
0x31: {  	[smem:$0x3FB9] =	sst s10  }
0x32: {  	s10 =	sld [smem:$0x3FB7];
	_ =	sdelay $0x3  }
0x33: {  	p0 =	seq.s32 s10, $0x1;
	s10 =	sld [smem:$0x3FB9];
	_ =	sdelay $0x3  }
0x34: {  	[smem:$0x3FB9] =	sst s10  }
0x35: {  	s10 =	sld [smem:$0x3FB8];
	_ =	sdelay $0x3  }
0x36: {  	p1 =	seq.s32 s10, $0x1;
	s10 =	sld [smem:$0x3FB9];
	_ =	sdelay $0x3  }
0x37: {  	[smem:$0x3FB9] =	sst s10  }
0x38: {  	s10 =	sld [smem:$0x3FBA]  }
0x39: {  	_ = 	snop;
	(pc) =	sbr.ind lr, $3  }
0x3a: {  	_ = 	snop  }
0x3b: {  	_ = 	snop  }
0x3c: {  	p2 =	seq.s32 s10, $0x1;
	s10 =	sld [smem:$0x3FB9]  }
0x3d: {  	_ =	shalt  }
0x3e: {  	_ =	shalt  }
0x3f: {  	_ =	shalt  }
0x40: {  	_ =	shalt  }
0x41: {  	_ =	shalt  }
0x42: {  	_ =	shalt  }
0x43: {  	_ =	shalt  }
0x44: {  	_ =	shalt  }
0x45: {  	_ =	shalt  }
0x46: {  	_ =	shalt  }
0x47: {  	_ =	shalt  }
0x48: {  	_ =	shalt  }
0x49: {  	_ =	shalt  }
0x4a: {  	_ =	shalt  }
0x4b: {  	_ =	shalt  }
0x4c: {  	_ =	shalt  }
0x4d: {  	_ =	shalt  }
0x4e: {  	_ =	shalt  }
0x4f: {  	_ =	shalt  }
0x50: {  	_ =	shalt  }
0x51: {  	_ =	shalt  }
0x52: {  	_ =	shalt  }
0x53: {  	_ =	shalt  }
0x54: {  	_ =	shalt  }
0x55: {  	_ =	shalt  }
0x56: {  	_ =	shalt  }
0x57: {  	_ =	shalt  }
0x58: {  	_ =	shalt  }
0x59: {  	_ =	shalt  }
0x5a: {  	_ =	shalt  }
0x5b: {  	_ =	shalt  }
0x5c: {  	_ =	shalt  }
0x5d: {  	_ =	shalt  }
0x5e: {  	_ =	shalt  }
0x5f: {  	_ =	shalt  }
0x60: {  	_ =	shalt  }
0x61: {  	_ =	shalt  }
0x62: {  	_ =	shalt  }
0x63: {  	_ =	shalt  }
0x64: {  	_ =	shalt  }
0x65: {  	_ =	shalt  }
0x66: {  	_ =	shalt  }
0x67: {  	_ =	shalt  }
0x68: {  	_ =	shalt  }
0x69: {  	_ =	shalt  }
0x6a: {  	_ =	shalt  }
0x6b: {  	_ =	shalt  }
0x6c: {  	_ =	shalt  }
0x6d: {  	_ =	shalt  }
0x6e: {  	_ =	shalt  }
0x6f: {  	_ =	shalt  }
0x70: {  	_ =	shalt  }
0x71: {  	_ =	shalt  }
0x72: {  	_ =	shalt  }
0x73: {  	_ =	shalt  }
0x74: {  	_ =	shalt  }
0x75: {  	_ =	shalt  }
0x76: {  	_ =	shalt  }
0x77: {  	_ =	shalt  }
0x78: {  	_ =	shalt  }
0x79: {  	_ =	shalt  }
0x7a: {  	_ =	shalt  }
0x7b: {  	_ =	shalt  }
0x7c: {  	_ =	shalt  }
0x7d: {  	_ =	shalt  }
0x7e: {  	_ =	shalt  }
0x7f: {  	_ =	shalt  }
0x80: {  	_ =	shalt  }
0x81: {  	_ =	shalt  }
0x82: {  	_ =	shalt  }
0x83: {  	_ =	shalt  }
0x84: {  	_ =	shalt  }
0x85: {  	_ =	shalt  }
0x86: {  	_ =	shalt  }
0x87: {  	_ =	shalt  }
.Lfunc_end0:
.L_simem_size_0:
called_computation_lowered:
.L_overlay_start_0:
0x88: {  	s0 =	sld [smem:$0x3FD9]  }
0x89: {  	s1 =	sld [smem:$0x3FFE];
	_ =	sdelay $0x3  }
0x8a: {  	s0 =	sadd.s32 s1, s0  }
0x8b: {  	[smem:$0x3FC5] =	sst s0  }
0x8c: {  	_ = 	snop  }
0x8d: {  	s0 =	sld [smem:$0x3FD0];
	_ =	sdelay $0x2  }
0x8e: {  	s13 =	simm.s32 $0xA;
	s2 =	simm.s32 $0x10  }
0x8f: {  	[smem:s2], [sflag:s13] =	dma.local [hbm:s0], $0x1  }
0x90: {  	_ =	swait.eq [sflag:s13], $0x1  }
0x91: {  	[sflag:s13] =	ssyncset.done $0x0  }
0x92: {  	s14 =	sld [smem:$0x10];
	[sflag:s13] =	ssyncadd.s32 $0xFFFFFFFF  }
0x93: {  	s15 =	sld [smem:$0x12];
	(tm) =	ssettm $0x1  }
0x94: {  	s16 =	sld [smem:$0x3FFB];
	_ =	sdelay $0x3  }
0x95: {  	_ =	strace s16  }
0x96: {  	s2 =	sld [smem:$0x3FFC];
	_ =	sdelay $0x3  }
0x97: {  	_ =	strace s2  }
0x98: {  	s2 =	sld [smem:$0x3FFD];
	_ =	sdelay $0x3  }
0x99: {  	_ =	strace s2  }
0x9a: {  	_ =	strace $0x8FFFFFFF  }
0x9b: {  	s17 =	sld [smem:$0x3FDB];
	_ =	sdelay $0x1  }
0x9c: {  	s3 =	simm.s32 $_scs_section_size  }
0x9d: {  	s4 =	simm.s32 $_size__tile_overlayer_lowered;
	s5 =	simm.s32 $_tile_overlayer_lowered  }
0x9e: {  	s20 =	simm.s32 $0x1BFF;
	s19 =	sshll.u32 s5, $0x1;
	s2 =	sadd.s32 s3, s17  }
0x9f: {  	s6 =	simm.s32 $0x0;
	s18 =	sshll.u32 s4, $0x1;
	s4 =	sadd.s32 s19, s2  }
0xa0: {  	[timem:s6], [sflag:s20] =	dma.local [hbm:s4], s18  }
0xa1: {  	_ =	swait.ge [sflag:s20], s18  }
0xa2: {  	s3 =	ssub.s32 $0x0, s18;
	[sflag:s20] =	ssyncset.done $0x0  }
0xa3: {  	[sflag:s20] =	ssyncadd.s32 s3;
	_ =	sdelay $0x1  }
0xa4: {  	s21 =	simm.s32 $0x1B8B  }
0xa5: {  	_ =	swait.ge [sflag:s21], $0x1  }
0xa6: {  	[sflag:s21] =	ssyncset.done $0x0  }
0xa7: {  	s23 =	simm.s32 $0x1B8E;
	s22 =	sld [smem:$0x3FFE];
	[sflag:s21] =	ssyncadd.s32 $0xFFFFFFFF  }
0xa8: {  	s24 =	simm.s32 $execute0_lowered;
	[smem:$0x3FD2] =	sst s23  }
0xa9: {  	s4 =	sshll.u32 s24, $0x1;
	_ =	strace $0x80000046;
	[dreg:$0x1] =	wrdreg $0xFFFFFFFF  }
0xaa: {  	s25 =	simm.s32 $_size_execute0_lowered;
	s2 =	sadd.s32 s2, s4;
	[dreg:$0x0] =	wrdreg $0x0  }
0xab: {  	s4 =	sshll.u32 s25, $0x1;
	[dreg:$0x2] =	wrdreg s2  }
0xac: {  	[dreg:$0x3] =	wrdreg s4  }
0xad: {  	[dreg:$0x4] =	wrdreg $0xC0  }
0xae: {  	_ =	task [dreg:s6], $0x5FFFF  }
0xaf: {  	[dreg:$0x1] =	wrdreg $0xFFFFFFFF  }
0xb0: {  	[dreg:$0x0] =	wrdreg $0x60  }
0xb1: {  	[dreg:$0x2] =	wrdreg s22  }
0xb2: {  	[dreg:$0x3] =	wrdreg s14  }
0xb3: {  	[dreg:$0x4] =	wrdreg s15  }
0xb4: {  	[dreg:$0x5] =	wrdreg $0x1B800  }
0xb5: {  	[dreg:$0x6] =	wrdreg $0x9  }
0xb6: {  	_ =	task.clear_ibuf [dreg:s6], $0x7FFFF;
	_ =	strace $0x90000046  }
0xb7: {  	s26 =	simm.s32 $0x9;
	_ =	strace $0x80000048  }
0xb8: {  	_ =	swait.ge [sflag:s26], $0x1  }
0xb9: {  	[sflag:s26] =	ssyncadd.s32 $0xFFFFFFFF  }
0xba: {  	_ =	strace $0x90000048  }
0xbb: {  	_ =	sfence  }
0xbc: {  	s28 =	sld [smem:$0x0];
	_ =	sdelay $0x1  }
0xbd: {  	s29 =	srdreg.scid  }
0xbe: {  	s30 =	sshll.u32 s29, $0xD;
	s31 =	sshrl.u32 s29, $0x2  }
0xbf: {  	s1 =	sand.u32 $0x1, s29;
	s2 =	sand.u32 $0x4000, s30;
	s0 =	sadd.s32 s31, s28  }
0xc0: {  	s1 =	sor.u32 s2, s1;
	s0 =	sshll.u32 s0, $0x11  }
0xc1: {  	s0 =	sor.u32 s0, s1  }
0xc2: {  	s0 =	sadd.s32 $0x8F2B, s0  }
0xc3: {  	[sflag:s0] =	ssyncadd.remote.s32 $0x1  }
0xc4: {  	_ =	sfence.sel $0xFFFF  }
0xc5: {  	[dreg:$0x0] =	wrdreg $0xFFFFFFFF;
	(pc) =	sbr.abs _section_cstart, $3  }
0xc6: {  	[dreg:$0x1] =	wrdreg $0xFFFFFFFF  }
0xc7: {  	_ =	task.clear_ibuf [dreg:s6], $0x2FFFF;
	_ =	strace $0x9FFFFFFF  }
0xc8: {  	(tm) =	ssettm $0x7FFFFFFF  }
0xc9: {  	_ =	shalt  }
tec
execute0_lowered:
.L_overlay_start_1:
0x0: {  	(tag) =	ssettag $0x1  }
0x1: {  	s1 =	stileid.u32  }
0x2: {  	s4 =	rddreg [dreg:$0x0];
	p0 =	sgt.u32 s1, $0x7  }
.Ltmp0:
0x3: {  	s7 =	rddreg [dreg:$0x1];
	(pc) =	sbr.rel @p0 .LBB2_2-.Ltmp0, $4  }
0x4: {  	s2 =	rddreg [dreg:$0x2]  }
0x5: {  	s6 =	rddreg [dreg:$0x3];
	s3 =	simm.s32 $0x0  }
0x6: {  	[smem:$0x7FF] =	sst s3  }
0x7: {  	s0 =	rddreg [dreg:$0x4];
	_ =	strace $0x80000047  }
0x8: {  	s8 =	sadd.s32 $0x1000, s4  }
0x9: {  	s9 =	sadd.s32 $0xE00, s4;
	s5 =	sshll.u32 s1, $0x4;
	s10 =	simm.s32 $0x100  }
0xa: {  	[tilespmem:s10], [sflag:$0x1] =	stream.linear.gather [hbm4b:s9+s3], $0x1000, $0x38;
	[tilespmem:$0x1BD0] =	vst v63  }
0xb: {  	s15 =	simm.s32 $0x80;
	s16 =	simm.s32 $0x400;
	s8 =	sadd.s32 s8, s5  }
0xc: {  	[tilespmem:s3], [sflag:$0x2] =	stream.strided.gather [hbm4b:s8+s15], $0x100, s16, s15, $0x38;
	[tilespmem:$0x1BD0] =	vst v63  }
0xd: {  	s17 =	simm.s32 $0x1100;
	s18 =	simm.s32 $0x1  }
0xe: {  	[tilespmem:s17], [sflag:$0x3] =	stream.linear.gather [hbm4b:s7+s3], $0x80, $0x38;
	[tilespmem:$0x1BD0] =	vst v63  }
0xf: {  	_ =	swait.ge [sflag:s18], $0x1000  }
0x10: {  	[sflag:s18] =	ssyncset.done $0x0  }
0x11: {  	s19 =	simm.s32 $0x2;
	[sflag:s18] =	ssyncadd.s32 $0xFFFFF000  }
0x12: {  	_ =	swait.ge [sflag:s19], $0x100  }
0x13: {  	[sflag:s19] =	ssyncset.done $0x0  }
0x14: {  	s20 =	simm.s32 $0x3;
	[sflag:s19] =	ssyncadd.s32 $0xFFFFFF00  }
0x15: {  	_ =	swait.ge [sflag:s20], $0x80  }
0x16: {  	[sflag:s20] =	ssyncset.done $0x0  }
0x17: {  	[sflag:s20] =	ssyncadd.s32 $0xFFFFFF80  }
0x18: {  	v12 =	vld [tilespmem:$0x0]  }
0x19: {  	v11 =	vld [tilespmem:$0x10]  }
0x1a: {  	v10 =	vld [tilespmem:$0x20]  }
0x1b: {  	v9 =	vld [tilespmem:$0x30]  }
0x1c: {  	v8 =	vld [tilespmem:$0x40]  }
0x1d: {  	v7 =	vld [tilespmem:$0x50]  }
0x1e: {  	v6 =	vld [tilespmem:$0x60]  }
0x1f: {  	v5 =	vld [tilespmem:$0x70]  }
0x20: {  	v4 =	vld [tilespmem:$0x80]  }
0x21: {  	v3 =	vld [tilespmem:$0x90]  }
0x22: {  	v2 =	vld [tilespmem:$0xA0]  }
0x23: {  	v1 =	vld [tilespmem:$0xB0]  }
0x24: {  	v0 =	vld [tilespmem:$0xC0]  }
0x25: {  	v13 =	vld [tilespmem:$0x100]  }
0x26: {  	v14 =	vld [tilespmem:$0x110]  }
0x27: {  	v16 =	vld [tilespmem:$0x120]  }
0x28: {  	v17 =	vld [tilespmem:$0x130]  }
0x29: {  	v20 =	vld [tilespmem:$0x140]  }
0x2a: {  	v23 =	vld [tilespmem:$0x150]  }
0x2b: {  	v24 =	vld [tilespmem:$0x160]  }
0x2c: {  	v26 =	vld [tilespmem:$0x170]  }
0x2d: {  	v27 =	vld [tilespmem:$0x500]  }
0x2e: {  	v28 =	vld [tilespmem:$0x510]  }
0x2f: {  	v29 =	vld [tilespmem:$0x520]  }
0x30: {  	v30 =	vld [tilespmem:$0x530]  }
0x31: {  	v31 =	vld [tilespmem:$0x540]  }
0x32: {  	v19 =	vld [tilespmem:$0x180]  }
0x33: {  	v22 =	vld [tilespmem:$0x190]  }
0x34: {  	v32 =	vld [tilespmem:$0x1A0]  }
0x35: {  	v33 =	vld [tilespmem:$0x1B0]  }
0x36: {  	v34 =	vld [tilespmem:$0x1C0]  }
0x37: {  	v35 =	vld [tilespmem:$0x1D0]  }
0x38: {  	v36 =	vld [tilespmem:$0x1E0]  }
0x39: {  	v37 =	vld [tilespmem:$0x1F0]  }
0x3a: {  	v38 =	vld [tilespmem:$0x580]  }
0x3b: {  	v39 =	vld [tilespmem:$0x590]  }
0x3c: {  	v40 =	vld [tilespmem:$0x5A0]  }
0x3d: {  	v41 =	vld [tilespmem:$0x5B0]  }
0x3e: {  	v42 =	vld [tilespmem:$0x5C0]  }
0x3f: {  	v43 =	vld [tilespmem:$0x200]  }
0x40: {  	v44 =	vld [tilespmem:$0x210]  }
0x41: {  	v45 =	vld [tilespmem:$0x220]  }
0x42: {  	v46 =	vld [tilespmem:$0x230]  }
0x43: {  	v47 =	vld [tilespmem:$0x240]  }
0x44: {  	v48 =	vld [tilespmem:$0x250]  }
0x45: {  	v49 =	vld [tilespmem:$0x260]  }
0x46: {  	v50 =	vld [tilespmem:$0x270]  }
0x47: {  	v51 =	vld [tilespmem:$0x600]  }
0x48: {  	v52 =	vld [tilespmem:$0x610]  }
0x49: {  	v21 =	vld [tilespmem:$0x620]  }
0x4a: {  	v18 =	vld [tilespmem:$0x630]  }
0x4b: {  	v15 =	vld [tilespmem:$0x640]  }
0x4c: {  	v53 =	vld [tilespmem:$0x280]  }
0x4d: {  	v54 =	vld [tilespmem:$0x290]  }
0x4e: {  	v55 =	vld [tilespmem:$0x2A0]  }
0x4f: {  	v56 =	vld [tilespmem:$0x2B0]  }
0x50: {  	v57 =	vld [tilespmem:$0x2C0]  }
0x51: {  	v58 =	vld [tilespmem:$0x2D0]  }
0x52: {  	v59 =	vld [tilespmem:$0x2E0]  }
0x53: {  	v60 =	vld [tilespmem:$0x2F0]  }
0x54: {  	v61 =	vld [tilespmem:$0x680];
	v13 =	vmul.f32 v13, v12;
	v14 =	vmul.f32 v14, v11  }
0x55: {  	v25 =	vld [tilespmem:$0x690]  }
0x56: {  	v63 =	vmul.f32 v22, v11;
	v22 =	vld [tilespmem:$0x6A0];
	v13 =	vadd.f32 v14, v13;
	v14 =	vmul.f32 v16, v10  }
0x57: {  	v62 =	vmul.f32 v17, v9;
	v17 =	vld [tilespmem:$0x6C0];
	v16 =	vmul.f32 v19, v12  }
0x58: {  	v32 =	vmul.f32 v32, v10;
	v19 =	vld [tilespmem:$0x6B0];
	v13 =	vadd.f32 v14, v13  }
0x59: {  	v16 =	vadd.f32 v63, v16;
	v63 =	vmul.f32 v20, v8;
	v20 =	vmul.f32 v34, v8;
	v34 =	vld [tilespmem:$0x320]  }
0x5a: {  	v14 =	vmul.f32 v26, v5;
	v26 =	vld [tilespmem:$0x350];
	v13 =	vadd.f32 v62, v13  }
0x5b: {  	v16 =	vadd.f32 v32, v16;
	v62 =	vmul.f32 v33, v9;
	v32 =	vld [tilespmem:$0x300]  }
0x5c: {  	v33 =	vld [tilespmem:$0x310];
	v13 =	vadd.f32 v63, v13;
	v63 =	vmul.f32 v23, v7  }
0x5d: {  	v24 =	vmul.f32 v24, v6;
	v29 =	vmul.f32 v29, v2;
	v16 =	vadd.f32 v62, v16;
	v62 =	vld [tilespmem:$0x330]  }
0x5e: {  	v40 =	vmul.f32 v40, v2;
	v30 =	vmul.f32 v30, v1;
	v23 =	vld [tilespmem:$0x720];
	v13 =	vadd.f32 v63, v13  }
0x5f: {  	v41 =	vmul.f32 v41, v1;
	v16 =	vadd.f32 v20, v16;
	v63 =	vmul.f32 v35, v7;
	v35 =	vld [tilespmem:$0x340]  }
0x60: {  	v31 =	vmul.f32 v31, v0;
	v20 =	vld [tilespmem:$0x730];
	v32 =	vmul.f32 v32, v12;
	v13 =	vadd.f32 v24, v13  }
0x61: {  	v33 =	vmul.f32 v33, v11;
	v16 =	vadd.f32 v63, v16;
	v63 =	vmul.f32 v36, v6;
	v36 =	vld [tilespmem:$0x360]  }
0x62: {  	v42 =	vmul.f32 v42, v0;
	v24 =	vld [tilespmem:$0x710];
	v13 =	vadd.f32 v14, v13;
	v14 =	vmul.f32 v27, v4  }
0x63: {  	v32 =	vadd.f32 v33, v32;
	v33 =	vld [tilespmem:$0x8B0];
	v16 =	vadd.f32 v63, v16;
	v63 =	vmul.f32 v37, v5  }
0x64: {  	v50 =	vmul.f32 v50, v5;
	v21 =	vmul.f32 v21, v2;
	v27 =	vld [tilespmem:$0x370];
	v13 =	vadd.f32 v14, v13  }
0x65: {  	v37 =	vld [tilespmem:$0x700];
	v14 =	vmul.f32 v28, v3;
	v16 =	vadd.f32 v63, v16;
	v63 =	vmul.f32 v38, v4  }
0x66: {  	v28 =	vmul.f32 v53, v12;
	v53 =	vmul.f32 v46, v9;
	v46 =	vld [tilespmem:$0x3A0]  }
0x67: {  	v38 =	vmul.f32 v43, v12;
	v43 =	vmul.f32 v44, v11;
	v44 =	vld [tilespmem:$0x3B0]  }
0x68: {  	v13 =	vadd.f32 v14, v13;
	v14 =	vadd.f32 v63, v16;
	v63 =	vmul.f32 v39, v3;
	v16 =	vld [tilespmem:$0x740]  }
0x69: {  	v25 =	vmul.f32 v25, v3;
	v18 =	vmul.f32 v18, v1;
	v38 =	vadd.f32 v43, v38;
	v43 =	vld [tilespmem:$0x380]  }
0x6a: {  	v39 =	vmul.f32 v45, v10;
	v45 =	vld [tilespmem:$0x390];
	v14 =	vadd.f32 v63, v14;
	v63 =	vmul.f32 v54, v11  }
0x6b: {  	v54 =	vmul.f32 v55, v10;
	v55 =	vmul.f32 v47, v8;
	v47 =	vld [tilespmem:$0x3D0]  }
0x6c: {  	v15 =	vmul.f32 v15, v0;
	v22 =	vmul.f32 v22, v2;
	v38 =	vadd.f32 v39, v38;
	v39 =	vld [tilespmem:$0x780]  }
0x6d: {  	v17 =	vmul.f32 v17, v0;
	v13 =	vadd.f32 v29, v13;
	v14 =	vadd.f32 v40, v14;
	v40 =	vld [tilespmem:$0x3C0]  }
0x6e: {  	v28 =	vadd.f32 v63, v28;
	v38 =	vadd.f32 v53, v38;
	v53 =	vmul.f32 v48, v7;
	v48 =	vld [tilespmem:$0x3E0]  }
0x6f: {  	v63 =	vmul.f32 v56, v9;
	v13 =	vadd.f32 v30, v13;
	v30 =	vld [tilespmem:$0x3F0];
	v56 =	vmul.f32 v49, v6  }
0x70: {  	v49 =	vld [tilespmem:$0x790];
	v28 =	vadd.f32 v54, v28;
	v38 =	vadd.f32 v55, v38;
	v54 =	vmul.f32 v57, v8  }
0x71: {  	v41 =	vadd.f32 v41, v14;
	v57 =	vmul.f32 v58, v7;
	v14 =	vadd.f32 v31, v13;
	v31 =	vld [tilespmem:$0x7B0]  }
0x72: {  	v58 =	vmul.f32 v59, v6;
	v59 =	vmul.f32 v51, v4;
	v51 =	vld [tilespmem:$0x400]  }
0x73: {  	v19 =	vmul.f32 v19, v1;
	v26 =	vmul.f32 v26, v7;
	v55 =	vadd.f32 v53, v38;
	v53 =	vld [tilespmem:$0x7A0]  }
0x74: {  	v62 =	vmul.f32 v62, v9;
	v28 =	vadd.f32 v63, v28;
	v13 =	vadd.f32 v42, v41;
	v42 =	vld [tilespmem:$0x7C0]  }
0x75: {  	v23 =	vmul.f32 v23, v2;
	v20 =	vmul.f32 v20, v1;
	v41 =	vld [tilespmem:$0x410]  }
0x76: {  	v63 =	vmul.f32 v52, v3;
	v52 =	vmul.f32 v35, v8;
	v35 =	vld [tilespmem:$0x470];
	v28 =	vadd.f32 v54, v28  }
0x77: {  	v38 =	vadd.f32 v56, v55;
	v56 =	vmul.f32 v60, v5;
	v60 =	vmul.f32 v34, v10;
	v34 =	vld [tilespmem:$0x430]  }
0x78: {  	v24 =	vmul.f32 v24, v3;
	v55 =	vmul.f32 v40, v8;
	v40 =	vld [tilespmem:$0x800]  }
0x79: {  	v16 =	vmul.f32 v16, v0;
	v28 =	vadd.f32 v57, v28;
	v38 =	vadd.f32 v50, v38;
	v50 =	vld [tilespmem:$0x450]  }
0x7a: {  	v31 =	vmul.f32 v31, v1;
	v57 =	vmul.f32 v43, v12;
	v32 =	vadd.f32 v60, v32;
	v43 =	vld [tilespmem:$0x820]  }
0x7b: {  	v60 =	vmul.f32 v48, v6;
	v28 =	vadd.f32 v58, v28;
	v58 =	vmul.f32 v45, v11;
	v45 =	vld [tilespmem:$0x420]  }
0x7c: {  	v38 =	vadd.f32 v59, v38;
	v59 =	vmul.f32 v61, v4;
	v61 =	vmul.f32 v46, v10;
	v46 =	vld [tilespmem:$0x440]  }
0x7d: {  	v32 =	vadd.f32 v62, v32;
	v62 =	vmul.f32 v27, v5;
	v27 =	vld [tilespmem:$0x480];
	v29 =	vadd.f32 v58, v57  }
0x7e: {  	v28 =	vadd.f32 v56, v28;
	v38 =	vadd.f32 v63, v38;
	v57 =	vmul.f32 v47, v7;
	v47 =	vld [tilespmem:$0x490]  }
0x7f: {  	v63 =	vmul.f32 v44, v9;
	v56 =	vadd.f32 v52, v32;
	v52 =	vld [tilespmem:$0x4A0];
	v29 =	vadd.f32 v61, v29  }
0x80: {  	v48 =	vmul.f32 v37, v4;
	v44 =	vld [tilespmem:$0x460];
	v28 =	vadd.f32 v59, v28;
	v38 =	vadd.f32 v21, v38  }
0x81: {  	v32 =	vld [tilespmem:$0x810];
	v58 =	vmul.f32 v36, v6;
	v26 =	vadd.f32 v26, v56;
	v54 =	vadd.f32 v63, v29  }
0x82: {  	v21 =	vld [tilespmem:$0x830];
	v25 =	vadd.f32 v25, v28;
	v59 =	vadd.f32 v18, v38;
	v38 =	vmul.f32 v30, v5  }
0x83: {  	v61 =	vadd.f32 v58, v26;
	v58 =	vmul.f32 v49, v3;
	v26 =	vld [tilespmem:$0x4F0];
	v47 =	vmul.f32 v47, v11  }
0x84: {  	v30 =	vld [tilespmem:$0x890];
	v49 =	vmul.f32 v52, v10;
	v29 =	vadd.f32 v55, v54;
	v22 =	vadd.f32 v22, v25  }
0x85: {  	v25 =	vadd.f32 v62, v61;
	v15 =	vadd.f32 v15, v59;
	v54 =	vmul.f32 v39, v4;
	v55 =	vld [tilespmem:$0x4B0]  }
0x86: {  	v18 =	vld [tilespmem:$0x840];
	v59 =	vmul.f32 v51, v12;
	v62 =	vmul.f32 v53, v2;
	v29 =	vadd.f32 v57, v29  }
0x87: {  	v51 =	vmul.f32 v46, v8;
	v19 =	vadd.f32 v19, v22;
	v56 =	vadd.f32 v48, v25;
	v25 =	vld [tilespmem:$0x4C0]  }
0x88: {  	v48 =	vmul.f32 v34, v9;
	v34 =	vld [tilespmem:$0x8A0];
	v26 =	vmul.f32 v26, v5;
	v63 =	vadd.f32 v60, v29  }
0x89: {  	v36 =	vmul.f32 v30, v3;
	v29 =	vld [tilespmem:$0x4D0];
	v17 =	vadd.f32 v17, v19;
	v60 =	vmul.f32 v41, v11  }
0x8a: {  	v22 =	vadd.f32 v24, v56;
	v56 =	vld [tilespmem:$0x910];
	v53 =	vmul.f32 v55, v9;
	v28 =	vadd.f32 v38, v63  }
0x8b: {  	v55 =	vmul.f32 v50, v7;
	v38 =	vld [tilespmem:$0x4E0];
	v19 =	vadd.f32 v60, v59;
	v63 =	vmul.f32 v45, v10  }
0x8c: {  	v45 =	vmul.f32 v27, v12;
	v59 =	vmul.f32 v42, v0;
	v42 =	vld [tilespmem:$0x920];
	v57 =	vadd.f32 v54, v28  }
0x8d: {  	v50 =	vmul.f32 v40, v4;
	v22 =	vadd.f32 v23, v22;
	v19 =	vadd.f32 v63, v19;
	v54 =	vld [tilespmem:$0x900]  }
0x8e: {  	v60 =	vmul.f32 v44, v6;
	v23 =	vadd.f32 v47, v45;
	v45 =	vld [tilespmem:$0x9A0];
	v61 =	vadd.f32 v58, v57  }
0x8f: {  	v44 =	vmul.f32 v35, v5;
	v20 =	vadd.f32 v20, v22;
	v19 =	vadd.f32 v48, v19;
	v58 =	vld [tilespmem:$0x980]  }
0x90: {  	v63 =	vmul.f32 v29, v7;
	v52 =	vadd.f32 v49, v23;
	v24 =	vadd.f32 v62, v61;
	v61 =	vld [tilespmem:$0x990]  }
0x91: {  	v47 =	vld [tilespmem:$0x930];
	v57 =	vmul.f32 v25, v8;
	v16 =	vadd.f32 v16, v20;
	v48 =	vmul.f32 v56, v11  }
0x92: {  	v39 =	vld [tilespmem:$0x880];
	v46 =	vmul.f32 v38, v6;
	v23 =	vmul.f32 v42, v10;
	v19 =	vadd.f32 v51, v19  }
0x93: {  	v35 =	vld [tilespmem:$0xD00];
	v22 =	vadd.f32 v53, v52;
	v27 =	vmul.f32 v54, v12;
	v10 =	vmul.f32 v45, v10  }
0x94: {  	v49 =	vld [tilespmem:$0x9B0];
	v45 =	vmul.f32 v34, v2;
	v24 =	vadd.f32 v31, v24;
	v19 =	vadd.f32 v55, v19  }
0x95: {  	v51 =	vld [tilespmem:$0x940];
	v62 =	vadd.f32 v57, v22;
	v12 =	vmul.f32 v58, v12;
	v11 =	vmul.f32 v61, v11  }
0x96: {  	v52 =	vld [tilespmem:$0x9C0];
	v55 =	vmul.f32 v47, v9;
	v57 =	vmul.f32 v32, v3;
	v27 =	vadd.f32 v48, v27  }
0x97: {  	v53 =	vld [tilespmem:$0x950];
	v32 =	vmul.f32 v43, v2;
	v24 =	vadd.f32 v59, v24;
	v11 =	vadd.f32 v11, v12  }
0x98: {  	v56 =	vld [tilespmem:$0x9D0];
	v43 =	vmul.f32 v21, v1;
	v19 =	vadd.f32 v60, v19;
	v54 =	vadd.f32 v23, v27  }
0x99: {  	v9 =	vmul.f32 v49, v9;
	v58 =	vld [tilespmem:$0x960];
	v20 =	vadd.f32 v63, v62;
	v10 =	vadd.f32 v10, v11  }
0x9a: {  	v59 =	vmul.f32 v39, v4;
	v60 =	vmul.f32 v51, v8;
	v61 =	vld [tilespmem:$0x9E0];
	v22 =	vadd.f32 v55, v54  }
0x9b: {  	v62 =	vld [tilespmem:$0x970];
	v8 =	vmul.f32 v52, v8;
	v51 =	vmul.f32 v33, v1;
	v9 =	vadd.f32 v9, v10  }
0x9c: {  	v31 =	vld [tilespmem:$0x9F0];
	v19 =	vadd.f32 v44, v19;
	v12 =	vmul.f32 v53, v7;
	v28 =	vadd.f32 v60, v22  }
0x9d: {  	v37 =	vld [tilespmem:$0x8C0];
	v20 =	vadd.f32 v46, v20;
	v7 =	vmul.f32 v56, v7;
	v8 =	vadd.f32 v8, v9  }
0x9e: {  	v39 =	vld [tilespmem:$0xD80];
	v46 =	vmul.f32 v35, v4;
	v38 =	vmul.f32 v58, v6;
	v12 =	vadd.f32 v12, v28  }
0x9f: {  	v40 =	vld [tilespmem:$0xD10];
	v53 =	vmul.f32 v18, v0;
	v6 =	vmul.f32 v61, v6;
	v7 =	vadd.f32 v7, v8  }
0xa0: {  	v42 =	vld [tilespmem:$0xD90];
	v20 =	vadd.f32 v26, v20;
	v10 =	vmul.f32 v62, v5;
	v12 =	vadd.f32 v38, v12  }
0xa1: {  	(xrf2) =	vadd.scan.msk.f32 $0xffff, v14;
	v44 =	vld [tilespmem:$0xD20];
	v19 =	vadd.f32 v50, v19;
	v5 =	vmul.f32 v31, v5;
	v6 =	vadd.f32 v6, v7  }
0xa2: {  	(xrf2) =	vadd.scan.msk.f32 $0xffff, v13;
	v47 =	vld [tilespmem:$0xDA0];
	v55 =	vmul.f32 v37, v0;
	v63 =	vadd.f32 v59, v20;
	v10 =	vadd.f32 v10, v12  }
0xa3: {  	v48 =	vld [tilespmem:$0xD30];
	v4 =	vmul.f32 v39, v4;
	v11 =	vadd.f32 v57, v19;
	v5 =	vadd.f32 v5, v6  }
0xa4: {  	(xrf2) =	vadd.scan.msk.f32 $0xffff, v15;
	v50 =	vld [tilespmem:$0xDB0];
	v41 =	vadd.f32 v36, v63;
	v8 =	vmul.f32 v40, v3;
	v10 =	vadd.f32 v46, v10  }
0xa5: {  	(xrf2) =	vadd.scan.msk.f32 $0xffff, v17;
	v52 =	vld [tilespmem:$0xD40];
	v9 =	vadd.f32 v32, v11;
	v3 =	vmul.f32 v42, v3;
	v4 =	vadd.f32 v4, v5  }
0xa6: {  	v54 =	vld [tilespmem:$0xDC0];
	v49 =	vadd.f32 v45, v41;
	v7 =	vmul.f32 v44, v2;
	v8 =	vadd.f32 v8, v10  }
0xa7: {  	v9 =	vadd.f32 v43, v9;
	v2 =	vmul.f32 v47, v2;
	v3 =	vadd.f32 v3, v4  }
0xa8: {  	(xrf2) =	vadd.scan.msk.f32 $0xffff, v16;
	v56 =	vmul.f32 v48, v1;
	v6 =	vadd.f32 v51, v49;
	v7 =	vadd.f32 v7, v8  }
0xa9: {  	(xrf2) =	vadd.scan.msk.f32 $0xffff, v24;
	v1 =	vmul.f32 v50, v1;
	v5 =	vadd.f32 v53, v9;
	v2 =	vadd.f32 v2, v3  }
0xaa: {  	v57 =	vld [tilespmem:$0x1100];
	v60 =	vmul.f32 v52, v0;
	v58 =	vadd.f32 v55, v6;
	v59 =	vadd.f32 v56, v7  }
0xab: {  	v61, _, _ =	vpop (xrf2);
	v0 =	vmul.f32 v54, v0;
	(xrf2) =	vadd.scan.msk.f32 $0xffff, v5;
	v1 =	vadd.f32 v1, v2  }
0xac: {  	v63, _, _ =	vpop (xrf2);
	(xrf2) =	vadd.scan.msk.f32 $0xffff, v58;
	v8 =	vadd.f32 v60, v59  }
0xad: {  	v62 =	vbroadcast v61, $0xF;
	v0 =	vadd.f32 v0, v1  }
0xae: {  	v11, _, _ =	vpop (xrf2);
	v9 =	vbroadcast v63, $0xF;
	(xrf2) =	vadd.scan.msk.f32 $0xffff, v8  }
0xaf: {  	v14, _, _ =	vpop (xrf2);
	v10 =	vadd.f32 v62, v57;
	(xrf2) =	vadd.scan.msk.f32 $0xffff, v0  }
0xb0: {  	vm1 =	vmmov $0x1;
	v13 =	vadd.f32 v9, v57;
	v2 =	vbroadcast v11, $0xF  }
0xb1: {  	vm0 =	vcmask $0x30C;
	v16 =	vbroadcast v14, $0xF;
	v15 =	vsel vm1, v10, v57  }
0xb2: {  	vm12 =	vcmask $0x710;
	v17, _, _ =	vpop (xrf2);
	v2 =	vadd.f32 v2, v57;
	v0 =	vsel vm0, v15, v13  }
0xb3: {  	vm13 =	vcmask $0xB14;
	v18, _, _ =	vpop (xrf2);
	v19 =	vbroadcast v17, $0xF;
	v1 =	vadd.f32 v16, v0  }
0xb4: {  	vm14 =	vcmask $0x1714;
	v20 =	vbroadcast v18, $0xF;
	v0 =	vsel vm12, v0, v2  }
0xb5: {  	vm2 =	vcmask $0xF1C;
	v21, _, _ =	vpop (xrf2);
	v1 =	vsel vm13, v0, v1;
	v0 =	vadd.f32 v19, v0  }
0xb6: {  	vm0 =	vmor vm2, vm14;
	v22, _, _ =	vpop (xrf2);
	v4 =	vbroadcast v21, $0xF;
	v3 =	vadd.f32 v20, v1  }
0xb7: {  	vm15 =	vcmask $0x131C;
	v2 =	vbroadcast v22, $0xF;
	v0 =	vsel vm0, v1, v0  }
0xb8: {  	v1 =	vadd.f32 v4, v1;
	v23, _, _ =	vpop (xrf2);
	v0 =	vsel vm15, v0, v3  }
0xb9: {  	vm4 =	vcmask $0x1720;
	v2 =	vadd.f32 v2, v0;
	v24 =	vbroadcast v23, $0xF;
	v25, _, _ =	vpop (xrf2)  }
0xba: {  	vm5 =	vcmask $0x1B24;
	v0 =	vsel vm4, v0, v1;
	v26 =	vbroadcast v25, $0xF  }
0xbb: {  	v2 =	vsel vm5, v0, v2;
	v0 =	vadd.f32 v24, v0  }
0xbc: {  	vm6 =	vcmask $0x1F28;
	v1 =	vadd.f32 v26, v2  }
0xbd: {  	vm7 =	vcmask $0x2328;
	v0 =	vsel vm6, v2, v0  }
0xbe: {  	v0 =	vsel vm7, v0, v1  }
0xbf: {  	v0 =	vsub.f32 $0.0e+00, v0;
	_ =	sdelay $0x1  }
0xc0: {  	v0 =	vmul.f32 $1.442695020e+00, v0;
	_ =	sdelay $0x1  }
0xc1: {  	(erf) = vpow2.f32 v0;
	_ =	sdelay $0x8  }
0xc2: {  	v0 =	vpop (erf)  }
0xc3: {  	v0 =	vadd.f32 $1.000000000e+00, v0;
	_ =	sdelay $0x1  }
0xc4: {  	(erf) = vrcp.f32 v0;
	_ =	sdelay $0x8  }
0xc5: {  	s21 =	sshll.u32 s1, $0x7;
	vm8 =	vmmov $0x3ff;
	v0 =	vpop (erf)  }
0xc6: {  	s7 =	sadd.s32 s21, s6;
	v0 =	vnsel vm8, $0x0, v0  }
0xc7: {  	s22 =	simm.s32 $0x1180;
	s23 =	simm.s32 $0x4;
	s7 =	sadd.s32 $0x2000, s7;
	[tilespmem:$0x1180] =	vst v0  }
0xc8: {  	[spmem:s7] =	stream.linear.scatter [tilespmem:s22], [sflag:$0x4], $0x80, $0x38;
	[tilespmem:$0x1BD0] =	vst v63  }
0xc9: {  	_ =	swait.ge [sflag:s23], $0x80  }
0xca: {  	v0 =	vlaneseq.u32;
	[sflag:s23] =	ssyncset.done $0x0  }
0xcb: {  	v27 =	vmul.u32 $0x80, v0;
	[sflag:s23] =	ssyncadd.s32 $0xFFFFFF80  }
0xcc: {  	s24 =	sadd.s32 $0x2000, s6;
	s25 =	simm.s32 $0x1200;
	[bflag:$0x0] =	sbarrier.arrive $0xFFFF  }
0xcd: {  	v28 =	vor.u32 $0x1, v27;
	[tilespmem:s25], [sflag:$0x4] =	stream.linear.gather [spmem:s24], $0x800, $0x38;
	[tilespmem:$0x1BD0] =	vst v63  }
0xce: {  	v29 =	vor.u32 $0x2, v27;
	_ =	swait.ge [sflag:s23], $0x800  }
0xcf: {  	v30 =	vor.u32 $0x3, v27;
	[sflag:s23] =	ssyncset.done $0x0  }
0xd0: {  	v31 =	vor.u32 $0x4, v27;
	[sflag:s23] =	ssyncadd.s32 $0xFFFFF800  }
0xd1: {  	v32 =	vor.u32 $0x5, v27;
	v10 =	vld.idx.msk [tilespmem:v27+s25+$0x0], $0xffff  }
0xd2: {  	v36 =	vor.u32 $0x7, v27;
	v9 =	vld.idx.msk [tilespmem:v28+s25+$0x0], $0xffff  }
0xd3: {  	v38 =	vor.u32 $0x8, v27;
	v8 =	vld.idx.msk [tilespmem:v29+s25+$0x0], $0xffff  }
0xd4: {  	v40 =	vor.u32 $0x9, v27;
	v5 =	vld.idx.msk [tilespmem:v30+s25+$0x0], $0xffff  }
0xd5: {  	v7 =	vld.idx.msk [tilespmem:v31+s25+$0x0], $0xffff  }
0xd6: {  	v1 =	vld.idx.msk [tilespmem:v32+s25+$0x0], $0xffff  }
0xd7: {  	v33 =	vor.u32 $0x6, v27;
	v2 =	vld.idx.msk [tilespmem:v36+s25+$0x0], $0xffff;
	v34 =	vmul.f32 v10, v10;
	v35 =	vmul.f32 v9, v9  }
0xd8: {  	v3 =	vld.idx.msk [tilespmem:v38+s25+$0x0], $0xffff  }
0xd9: {  	v4 =	vld.idx.msk [tilespmem:v40+s25+$0x0], $0xffff;
	v37 =	vmul.f32 v8, v8;
	v6 =	vadd.f32 v35, v34;
	_ =	sdelay $0x1  }
0xda: {  	v39 =	vmul.f32 v5, v5;
	v11 =	vadd.f32 v37, v6  }
0xdb: {  	v49 =	vimm.s32 $0x0;
	v41 =	vmul.f32 v7, v7;
	v42 =	vmul.f32 v1, v1;
	v6 =	vld.idx.msk [tilespmem:v33+s25+$0x0], $0xffff  }
0xdc: {  	v44 =	vmul.f32 v2, v2;
	v45 =	vmul.f32 v3, v3;
	v11 =	vadd.f32 v39, v11  }
0xdd: {  	v46 =	vmul.f32 v4, v4;
	v50 =	vperm.xlane v10, v49  }
0xde: {  	v51 =	vperm.xlane v9, v49;
	v52 =	vperm.xlane v8, v49;
	v11 =	vadd.f32 v41, v11  }
0xdf: {  	v54 =	vperm.xlane v5, v49;
	v57 =	vperm.xlane v7, v49  }
0xe0: {  	v60 =	vperm.xlane v1, v49;
	v43 =	vmul.f32 v6, v6;
	v11 =	vadd.f32 v42, v11  }
0xe1: {  	v63 =	vimm.s32 $0x1;
	v22 =	vperm.xlane v2, v49;
	v23 =	vperm.xlane v3, v49  }
0xe2: {  	v24 =	vperm.xlane v10, v63;
	v25 =	vperm.xlane v9, v63;
	v11 =	vadd.f32 v43, v11  }
0xe3: {  	v32 =	vimm.s32 $0x2;
	v28 =	vperm.xlane v8, v63;
	v29 =	vperm.xlane v5, v63  }
0xe4: {  	v31 =	vperm.xlane v7, v63;
	v36 =	vperm.xlane v9, v32;
	v11 =	vadd.f32 v44, v11  }
0xe5: {  	v15 =	vmul.f32 v50, v10;
	v16 =	vmul.f32 v51, v9  }
0xe6: {  	v53 =	vmul.f32 v52, v8;
	v56 =	vmul.f32 v54, v5;
	v11 =	vadd.f32 v45, v11  }
0xe7: {  	v59 =	vmul.f32 v57, v7;
	v62 =	vmul.f32 v60, v1  }
0xe8: {  	v17 =	vmul.f32 v22, v2;
	v26 =	vmul.f32 v24, v10;
	v11 =	vadd.f32 v46, v11  }
0xe9: {  	v27 =	vmul.f32 v25, v9;
	v30 =	vmul.f32 v28, v8  }
0xea: {  	v34 =	vperm.xlane v10, v32;
	v12 =	vshrl.u32 v11, $0x1;
	v47 =	vmul.f32 $5.000000000e-01, v11  }
0xeb: {  	v35 =	vperm.xlane v1, v63;
	v38 =	vmul.f32 v36, v9;
	v12 =	vsub.s32 $0x5F3759DF, v12  }
0xec: {  	v51 =	vperm.xlane v2, v32;
	v52 =	vimm.s32 $0x3;
	v48 =	vmul.f32 v12, v47  }
0xed: {  	v57 =	vperm.xlane v4, v32;
	v54 =	vperm.xlane v10, v52  }
0xee: {  	v60 =	vperm.xlane v5, v52;
	v14 =	vmul.f32 v12, v48  }
0xef: {  	v25 =	vperm.xlane v1, v52;
	v21 =	vperm.xlane v4, v52  }
0xf0: {  	v33 =	vmul.f32 v31, v7;
	v19 =	vmul.f32 v34, v10;
	v14 =	vsub.f32 $1.500000000e+00, v14  }
0xf1: {  	v15 =	vadd.f32 v16, v15;
	v34 =	vperm.xlane v2, v52;
	v18 =	vmul.f32 v60, v5  }
0xf2: {  	v21 =	vmul.f32 v21, v4;
	v12 =	vmul.f32 v12, v14  }
0xf3: {  	v55 =	vadd.f32 v53, v15;
	v39 =	vperm.xlane v8, v32;
	v15 =	vperm.xlane v4, v63  }
0xf4: {  	v53 =	vmul.f32 v51, v2;
	v14 =	vmul.f32 v12, v47  }
0xf5: {  	v40 =	vmul.f32 v39, v8;
	v41 =	vperm.xlane v5, v32  }
0xf6: {  	v15 =	vmul.f32 v15, v4;
	v14 =	vmul.f32 v14, v12  }
0xf7: {  	v58 =	vadd.f32 v56, v55;
	v55 =	vperm.xlane v3, v32;
	v61 =	vperm.xlane v6, v49  }
0xf8: {  	v56 =	vperm.xlane v9, v52;
	v37 =	vperm.xlane v6, v63;
	v14 =	vsub.f32 $1.500000000e+00, v14  }
0xf9: {  	v42 =	vperm.xlane v2, v63;
	v16 =	vmul.f32 v61, v6  }
0xfa: {  	v43 =	vperm.xlane v3, v63;
	v63 =	vimm.s32 $0x4;
	v12 =	vmul.f32 v14, v12  }
0xfb: {  	v28 =	vperm.xlane v9, v63;
	v36 =	vperm.xlane v5, v63  }
0xfc: {  	v39 =	vperm.xlane v7, v63;
	v13 =	vmul.f32 v12, v47  }
0xfd: {  	v44 =	vmul.f32 v41, v5;
	v31 =	vmul.f32 v28, v9  }
0xfe: {  	v24 =	vimm.s32 $0x6;
	v41 =	vmul.f32 v39, v7;
	v13 =	vmul.f32 v13, v12  }
0xff: {  	v28 =	vperm.xlane v8, v24;
	v39 =	vperm.xlane v6, v24  }
0x100: {  	v45 =	vperm.xlane v7, v32;
	v48 =	vperm.xlane v1, v32;
	v13 =	vsub.f32 $1.500000000e+00, v13  }
0x101: {  	v46 =	vmul.f32 v43, v3;
	v43 =	vperm.xlane v6, v63  }
0x102: {  	v50 =	vmul.f32 v48, v1;
	v12 =	vmul.f32 v13, v12  }
0x103: {  	v14 =	vperm.xlane v4, v49;
	v49 =	vperm.xlane v6, v32  }
0x104: {  	v32 =	vperm.xlane v8, v63;
	v11 =	vmul.f32 v12, v11;
	v12 =	vadd.f32 v59, v58  }
0x105: {  	v14 =	vmul.f32 v14, v4;
	v47 =	vmul.f32 v45, v7  }
0x106: {  	v45 =	vperm.xlane v2, v63;
	v59 =	vperm.xlane v8, v52;
	v12 =	vadd.f32 v62, v12  }
0x107: {  	v13 =	vmul.f32 v23, v3;
	v58 =	vmul.f32 v56, v9  }
0x108: {  	v61 =	vmul.f32 v59, v8;
	v12 =	vadd.f32 v16, v12;
	v16 =	vadd.f32 v27, v26  }
0x109: {  	v11 =	vmax.f32 v11, $9.999999930e-09;
	v62 =	vperm.xlane v7, v52;
	v59 =	vperm.xlane v10, v24  }
0x10a: {  	v12 =	vadd.f32 v17, v12;
	v17 =	vmul.f32 v29, v5;
	v16 =	vadd.f32 v30, v16  }
0x10b: {  	(erf) = vrcp.f32 v11;
	v26 =	vperm.xlane v10, v63  }
0x10c: {  	v27 =	vmul.f32 v62, v7;
	v29 =	vmul.f32 v25, v1;
	v16 =	vadd.f32 v17, v16  }
0x10d: {  	v30 =	vmul.f32 v26, v10;
	v12 =	vadd.f32 v13, v12;
	v13 =	vmul.f32 v35, v1  }
0x10e: {  	v17 =	vmul.f32 v37, v6;
	v35 =	vmul.f32 v32, v8;
	v16 =	vadd.f32 v33, v16  }
0x10f: {  	v37 =	vmul.f32 v34, v2;
	v12 =	vadd.f32 v14, v12;
	v14 =	vadd.f32 v38, v19  }
0x110: {  	v19 =	vmul.f32 v54, v10;
	v33 =	vperm.xlane v6, v52;
	v13 =	vadd.f32 v13, v16  }
0x111: {  	v38 =	vmul.f32 v36, v5;
	v54 =	vperm.xlane v4, v63;
	v14 =	vadd.f32 v40, v14  }
0x112: {  	v16 =	vmul.f32 v42, v2;
	v42 =	vperm.xlane v1, v63;
	v13 =	vadd.f32 v17, v13  }
0x113: {  	v40 =	vperm.xlane v3, v52;
	v14 =	vadd.f32 v44, v14;
	v17 =	vmul.f32 v55, v3  }
0x114: {  	v44 =	vmul.f32 v42, v1;
	v13 =	vadd.f32 v16, v13;
	v16 =	vmul.f32 v49, v6  }
0x115: {  	v14 =	vadd.f32 v47, v14;
	v47 =	vperm.xlane v3, v63;
	v49 =	vmul.f32 v45, v2  }
0x116: {  	v45 =	vperm.xlane v2, v24;
	v13 =	vadd.f32 v46, v13;
	v46 =	vimm.s32 $0x5  }
0x117: {  	v51 =	vmul.f32 v47, v3;
	v48 =	vperm.xlane v10, v46  }
0x118: {  	v14 =	vadd.f32 v50, v14;
	v50 =	vperm.xlane v9, v46;
	v55 =	vperm.xlane v5, v46  }
0x119: {  	v60 =	vperm.xlane v1, v46;
	v62 =	vperm.xlane v6, v46  }
0x11a: {  	v32 =	vperm.xlane v2, v46;
	v23 =	vperm.xlane v4, v46;
	v14 =	vadd.f32 v16, v14  }
0x11b: {  	v13 =	vadd.f32 v15, v13;
	v16 =	vmul.f32 v57, v4;
	v57 =	vperm.xlane v7, v46  }
0x11c: {  	v15 =	vadd.f32 v58, v19;
	v52 =	vmul.f32 v48, v10;
	v20 =	vmul.f32 v50, v9  }
0x11d: {  	v22 =	vmul.f32 v55, v5;
	v48 =	vmul.f32 v45, v2;
	v14 =	vadd.f32 v53, v14  }
0x11e: {  	v15 =	vadd.f32 v61, v15;
	v53 =	vperm.xlane v8, v46;
	v58 =	vmul.f32 v57, v7  }
0x11f: {  	v61 =	vperm.xlane v9, v24;
	v19 =	vadd.f32 v20, v52;
	v14 =	vadd.f32 v17, v14  }
0x120: {  	v52 =	vmul.f32 v23, v4;
	v15 =	vadd.f32 v18, v15;
	v17 =	vmul.f32 v33, v6  }
0x121: {  	v18 =	vmul.f32 v43, v6;
	v14 =	vadd.f32 v16, v14;
	v16 =	vadd.f32 v31, v30  }
0x122: {  	vm9 =	vmmov $0xff;
	v56 =	vmul.f32 v53, v8;
	v63 =	vmul.f32 v61, v9  }
0x123: {  	v55 =	vpop (erf);
	v33 =	vperm.xlane v3, v46;
	v43 =	vmul.f32 v39, v6;
	v16 =	vadd.f32 v35, v16  }
0x124: {  	v12 =	vmul.f32 v55, v12;
	v13 =	vmul.f32 v13, v55;
	v15 =	vadd.f32 v27, v15  }
0x125: {  	v30 =	vmul.f32 v28, v8;
	v31 =	vperm.xlane v5, v24;
	v16 =	vadd.f32 v38, v16  }
0x126: {  	vm10 =	vcmask $0x320;
	v36 =	vmul.f32 v33, v3;
	v27 =	vperm.xlane v4, v24  }
0x127: {  	v15 =	vadd.f32 v29, v15;
	v29 =	vmul.f32 v62, v6;
	v16 =	vadd.f32 v41, v16  }
0x128: {  	v19 =	vadd.f32 v56, v19;
	v34 =	vmul.f32 v31, v5;
	v35 =	vperm.xlane v7, v24  }
0x129: {  	v14 =	vmul.f32 v14, v55;
	v15 =	vadd.f32 v17, v15;
	v16 =	vadd.f32 v44, v16  }
0x12a: {  	v12 =	vnsel vm9, $0xFF800000, v12;
	v17 =	vmul.f32 v40, v3;
	v38 =	vperm.xlane v1, v24  }
0x12b: {  	v40 =	vimm.s32 $0x7;
	v15 =	vadd.f32 v37, v15;
	v16 =	vadd.f32 v18, v16  }
0x12c: {  	v13 =	vnsel vm9, $0xFF800000, v13;
	v42 =	vperm.xlane v10, v40;
	v47 =	vperm.xlane v8, v40  }
0x12d: {  	v57 =	vperm.xlane v1, v40;
	v15 =	vadd.f32 v17, v15;
	v16 =	vadd.f32 v49, v16  }
0x12e: {  	v19 =	vadd.f32 v22, v19;
	v17 =	vmul.f32 v54, v4;
	v44 =	vperm.xlane v9, v40  }
0x12f: {  	v15 =	vadd.f32 v21, v15;
	v21 =	vmul.f32 v59, v10;
	v16 =	vadd.f32 v51, v16  }
0x130: {  	v19 =	vadd.f32 v58, v19;
	v22 =	vmul.f32 v42, v10;
	v46 =	vmul.f32 v44, v9  }
0x131: {  	v62 =	vperm.xlane v2, v40;
	v16 =	vadd.f32 v17, v16;
	v17 =	vadd.f32 v63, v21  }
0x132: {  	v50 =	vmul.f32 v47, v8;
	v20 =	vadd.f32 v46, v22;
	v51 =	vperm.xlane v5, v40  }
0x133: {  	v33 =	vperm.xlane v4, v40;
	v37 =	vmul.f32 v35, v7;
	v17 =	vadd.f32 v30, v17  }
0x134: {  	v54 =	vperm.xlane v7, v40;
	v20 =	vadd.f32 v50, v20;
	v53 =	vmul.f32 v51, v5  }
0x135: {  	v41 =	vmul.f32 v38, v1;
	v18 =	vmul.f32 v60, v1;
	v17 =	vadd.f32 v34, v17  }
0x136: {  	v58 =	vmul.f32 v57, v1;
	v56 =	vmul.f32 v54, v7;
	v20 =	vadd.f32 v53, v20  }
0x137: {  	v28 =	vmul.f32 v62, v2;
	v18 =	vadd.f32 v18, v19;
	v17 =	vadd.f32 v37, v17  }
0x138: {  	v59 =	vperm.xlane v6, v40;
	v19 =	vmul.f32 v32, v2;
	v20 =	vadd.f32 v56, v20  }
0x139: {  	v49 =	vperm.xlane v3, v24;
	v18 =	vadd.f32 v29, v18;
	v17 =	vadd.f32 v41, v17  }
0x13a: {  	v61 =	vmul.f32 v59, v6;
	v25 =	vmul.f32 v15, v55;
	v60 =	vadd.f32 v58, v20  }
0x13b: {  	(xrf0) =	vmax.scan.msk.f32 $0xffff, v12;
	v15 =	vmul.f32 v27, v4;
	v18 =	vadd.f32 v19, v18;
	v17 =	vadd.f32 v43, v17  }
0x13c: {  	(xrf0) =	vmax.scan.msk.f32 $0xffff, v13;
	v29 =	vperm.xlane v3, v40;
	v63 =	vnsel vm9, $0xFF800000, v14;
	v12 =	vadd.f32 v61, v60  }
0x13d: {  	v21 =	vmul.f32 v49, v3;
	(xrf0) =	vmax.scan.msk.f32 $0xffff, v63;
	v18 =	vadd.f32 v36, v18;
	v17 =	vadd.f32 v48, v17  }
0x13e: {  	v32 =	vmul.f32 v29, v3;
	v31 =	vmul.f32 v16, v55;
	v12 =	vadd.f32 v28, v12  }
0x13f: {  	v30 =	vnsel vm9, $0xFF800000, v25;
	v18 =	vadd.f32 v52, v18;
	v17 =	vadd.f32 v21, v17  }
0x140: {  	v36 =	vmul.f32 v33, v4;
	(xrf0) =	vmax.scan.msk.f32 $0xffff, v30;
	v14 =	vnsel vm9, $0xFF800000, v31;
	v12 =	vadd.f32 v32, v12  }
0x141: {  	vm11 =	vcmask $0x720;
	v34, _, _ =	vpop (xrf0);
	(xrf0) =	vmax.scan.msk.f32 $0xffff, v14;
	v35 =	vmul.f32 v18, v55;
	v15 =	vadd.f32 v15, v17  }
0x142: {  	vm14 =	vcmask $0x1320;
	vm12 =	vcmask $0xB20;
	v37, _, _ =	vpop (xrf0);
	v12 =	vadd.f32 v36, v12  }
0x143: {  	v16 =	vbroadcast v37, $0xF;
	v38, _, _ =	vpop (xrf0);
	v14 =	vnsel vm9, $0xFF800000, v35;
	v15 =	vmul.f32 v15, v55  }
0x144: {  	v41 =	vmov s1;
	v13 =	vbroadcast v38, $0xF;
	v12 =	vmul.f32 v12, v55  }
0x145: {  	(xrf0) =	vmax.scan.msk.f32 $0xffff, v14;
	v44 =	vperm.xlane v9, v41;
	v43 =	vperm.xlane v10, v41;
	v15 =	vnsel vm9, $0xFF800000, v15  }
0x146: {  	v40, _, _ =	vpop (xrf0);
	v47 =	vperm.xlane v8, v41;
	v50 =	vperm.xlane v7, v41;
	v12 =	vnsel vm9, $0xFF800000, v12;
	(xrf0) =	vmax.scan.msk.f32 $0xffff, v15  }
0x147: {  	vm13 =	vcmask $0xF20;
	v42, _, _ =	vpop (xrf0);
	v10 =	vmul.f32 v43, v10;
	v17 =	vbroadcast v34, $0xF;
	(xrf0) =	vmax.scan.msk.f32 $0xffff, v12  }
0x148: {  	vm15 =	vcmask $0x1B20;
	v53 =	vperm.xlane v1, v41;
	v9 =	vmul.f32 v44, v9  }
0x149: {  	v8 =	vmul.f32 v47, v8;
	v10 =	vadd.f32 $0.0e+00, v10;
	v39 =	vnsel vm1, $0x0, v17  }
0x14a: {  	v48 =	vperm.xlane v5, v41;
	v14 =	vsel vm10, v39, v16;
	v16 =	vbroadcast v40, $0xF  }
0x14b: {  	v45, _, _ =	vpop (xrf0);
	v9 =	vadd.f32 v9, v10;
	v13 =	vsel vm11, v14, v13;
	v14 =	vbroadcast v42, $0xF  }
0x14c: {  	v5 =	vmul.f32 v48, v5;
	v13 =	vsel vm12, v13, v16;
	v16 =	vbroadcast v45, $0xF;
	v46, _, _ =	vpop (xrf0)  }
0x14d: {  	v8 =	vadd.f32 v8, v9;
	v13 =	vsel vm13, v13, v14;
	v14 =	vbroadcast v46, $0xF;
	v51, _, _ =	vpop (xrf0)  }
0x14e: {  	v54 =	vperm.xlane v11, v41;
	v49 =	vsel vm14, v13, v16;
	v52 =	vbroadcast v51, $0xF  }
0x14f: {  	v7 =	vmul.f32 v50, v7;
	v5 =	vadd.f32 v5, v8;
	v12 =	vsel vm4, v49, v14  }
0x150: {  	v1 =	vmul.f32 v53, v1;
	v9 =	vsel vm15, v12, v52  }
0x151: {  	v55 =	vperm.xlane v6, v41;
	v5 =	vadd.f32 v7, v5;
	v56 =	vmul.f32 v54, v9  }
0x152: {  	v57 =	vperm.xlane v2, v41  }
0x153: {  	v6 =	vmul.f32 v55, v6;
	v1 =	vadd.f32 v1, v5;
	(erf) = vrcp.f32 v56;
	_ =	sdelay $0x1  }
0x154: {  	v58 =	vperm.xlane v3, v41;
	v2 =	vmul.f32 v57, v2;
	v1 =	vadd.f32 v6, v1;
	_ =	sdelay $0x1  }
0x155: {  	v60 =	vperm.xlane v4, v41;
	v59 =	vmul.f32 v58, v3;
	v1 =	vadd.f32 v2, v1;
	_ =	sdelay $0x1  }
0x156: {  	v61 =	vmul.f32 v60, v4;
	v1 =	vadd.f32 v59, v1;
	_ =	sdelay $0x1  }
0x157: {  	v1 =	vadd.f32 v61, v1  }
0x158: {  	v62 =	vpop (erf)  }
0x159: {  	v1 =	vmul.f32 v62, v1;
	_ =	sdelay $0x1  }
0x15a: {  	v1 =	vnsel vm9, $0xFF800000, v1  }
0x15b: {  	(xrf1) =	vsort.dscd.msk.f32 $0xffff, v1, v0;
	_ =	sdelay $0xd  }
0x15c: {  	[tilespmem:$0x1B00] =	vst v1;
	v0, v63, _ =	vpop (xrf1)  }
0x15d: {  	s26 =	sadd.s32 $0x1400, s4;
	[tilespmem:$0x1A00] =	vst v0  }
0x15e: {  	s28 =	simm.s32 $0x1A00;
	s6 =	sadd.s32 s26, s5;
	[tilespmem:$0x1A80] =	vst v63  }
0x15f: {  	[hbm4b:s6+s3] =	stream.linear.scatter [tilespmem:s28], [sflag:$0x4], $0x80, $0x38;
	[tilespmem:$0x1BD0] =	vst v63  }
0x160: {  	_ =	swait.ge [sflag:s23], $0x80  }
0x161: {  	s29 =	sadd.s32 $0x1200, s4;
	[sflag:s23] =	ssyncset.done $0x0  }
0x162: {  	s30 =	simm.s32 $0x1A80;
	s4 =	sadd.s32 s29, s5;
	[sflag:s23] =	ssyncadd.s32 $0xFFFFFF80  }
0x163: {  	[hbm4b:s4+s3] =	stream.linear.scatter [tilespmem:s30], [sflag:$0x4], $0x80, $0x38;
	[tilespmem:$0x1BD0] =	vst v63  }
0x164: {  	_ =	swait.ge [sflag:s23], $0x80  }
0x165: {  	s31 =	simm.s32 $0x1B00;
	[sflag:s23] =	ssyncset.done $0x0  }
.Ltmp1:
0x166: {  	s2 =	sadd.s32 s2, s5;
	[sflag:s23] =	ssyncadd.s32 $0xFFFFFF80;
	(pc) =	sbr.rel .LBB2_3-.Ltmp1, $4  }
0x167: {  	[hbm4b:s2+s3] =	stream.linear.scatter [tilespmem:s31], [sflag:$0x4], $0x80, $0x38;
	[tilespmem:$0x1BD0] =	vst v63  }
0x168: {  	_ =	swait.ge [sflag:s23], $0x80  }
0x169: {  	[sflag:s23] =	ssyncset.done $0x0  }
0x16a: {  	[sflag:s23] =	ssyncadd.s32 $0xFFFFFF80  }
.LBB2_2:
0x16b: {  	[bflag:$0x0] =	sbarrier.arrive $0xFFFF  }
.LBB2_3:
0x16c: {  	_ =	sfence.sel $0x180000  }
0x16d: {  	[bflag:$0x0] =	sbarrier.arrive $0xFFFF  }
0x16e: {  	p0 =	sne.s32 s1, $0x0;
	_ =	strace $0x90000047  }
0x16f: {  	s0 =	sadd.s32 @!p0 $0x100000, s0;
	[bflag:$0x2] =	sbarrier.arrive $0xFFFF  }
0x170: {  	[sflag:s0] =	ssyncadd.tile.s32 @!p0 $0x1;
	_ =	shalt  }
.Lfunc_end2:
_tile_overlayer_lowered:
.L_overlay_start_2:
0x171: {  	(tag) =	ssettag $0x2  }
0x172: {  	s0 =	rddreg [dreg:$0x0];
	s2 =	stileid.u32  }
0x173: {  	s1 =	rddreg [dreg:$0x1];
	p0 =	sne.s32 s2, $0x0  }
0x174: {  	s3 =	rddreg [dreg:$0x2];
	[bflag:$0x3] =	sbarrier.arrive $0xFFFF;
	s2 =	simm.s32 @!p0 $0x1C04  }
0x175: {  	[timem:s3], [sflag:s2] =	dma.local @!p0 [hbm:s0], s1  }
0x176: {  	s0 =	simm.s32 @!p0 $0x4  }
0x177: {  	_ =	swait.ge @!p0 [sflag:s0], s1  }
0x178: {  	s1 =	ssub.s32 @!p0 $0x0, s1;
	[sflag:s0] =	ssyncset.done @!p0 $0x0  }
0x179: {  	[sflag:s0] =	ssyncadd.s32 @!p0 s1  }
0x17a: {  	[bflag:$0x3] =	sbarrier.arrive $0xFFFF  }
0x17b: {  	_ =	shalt  }

</sc_bundles>
